<compile_context>
chip_gen: v7x
topology: tpu7x:2x2x1
jax: 0.10.2.dev20260603
libtpu: 0.0.44.dev20260713+nightly
codegen_flags: <defaults>
</compile_context>

<pallas_src>
import jax
import jax.numpy as jnp
from jax import lax
from jax.experimental import pallas as pl
from jax.experimental.pallas import tpu as pltpu
from jax.experimental.pallas import tpu_sc as plsc

B, S, D_RHO, D_C, HID = 16, 2048, 256, 128, 512
GRID = 17
K_PAD = 384
NC, L = 2, 16
SH = S // NC
NB = B * K_PAD


def _sc_hist_body(gidx_hbm, zeros_hbm, out_hbm, idxv, onesv, shared):
    c = lax.axis_index("c")
    s = lax.axis_index("s")
    pltpu.sync_copy(gidx_hbm.at[s, c], idxv)
    for i in range(8):
        onesv[pl.ds(i * L, L)] = jnp.ones((L,), jnp.float32)

    @pl.when(s == 0)
    def _zero():
        pltpu.sync_copy(zeros_hbm, shared)
    plsc.subcore_barrier()

    for j in range(SH // 128):
        pltpu.sync_copy(onesv, shared.at[idxv.at[j]], add=True)
    plsc.subcore_barrier()

    @pl.when(s == 0)
    def _flush():
        pltpu.sync_copy(shared, out_hbm.at[c])


def _sc_histogram(gidx, zeros):
    mesh = plsc.VectorSubcoreMesh(core_axis_name="c", subcore_axis_name="s")
    return pl.kernel(
        _sc_hist_body,
        mesh=mesh,
        out_type=jax.ShapeDtypeStruct((NC, NB), jnp.float32),
        scratch_types=[
            pltpu.VMEM((SH // 128, 128), jnp.int32),
            pltpu.VMEM((128,), jnp.float32),
            pltpu.VMEM_SHARED((NB,), jnp.float32),
        ],
    )(gidx, zeros)


def _mlp_bias(hist, cflat_ref, W1_ref, b1_ref, W2_ref, b2_ref,
              Wf1c_ref, bf1_ref):
    mean_c = jnp.dot(hist * (1.0 / S), cflat_ref[...])
    pre = jnp.dot(mean_c, W1_ref[...]) + b1_ref[...]
    scale, alpha = 1.0507009873554805, 1.6732632423543772
    h2 = scale * jnp.where(pre > 0, pre, alpha * (jnp.exp(pre) - 1.0))
    c_tr = jnp.dot(h2, W2_ref[...]) + b2_ref[...]
    return jnp.dot(c_tr, Wf1c_ref[...]) + bf1_ref[...]


def _hist_row(ph_ref, r):
    return (ph_ref[0, pl.ds(r, 1), :] + ph_ref[1, pl.ds(r, 1), :])


def _tc_body(ph_ref, rho_ref, wcol_ref, cflat_ref, W1_ref, b1_ref, W2_ref,
             b2_ref, Wf1r_ref, Wf1c_ref, bf1_ref, W2b_ref,
             outm_ref, outv_ref, bias_sc, lmv_sc):
    b = pl.program_id(0)

    @pl.when(b == 0)
    def _prologue():
        bias_sc[pl.ds(0, 1), :] = _mlp_bias(
            _hist_row(ph_ref, 0), cflat_ref, W1_ref, b1_ref, W2_ref, b2_ref,
            Wf1c_ref, bf1_ref)

    lmp = lmv_sc[pl.ds(1 - b % 2, 1)][0]
    w = wcol_ref[0]
    lm = lmp[:, 0:1]
    lv = lmp[:, 1:2]
    ma = jnp.max(lm)
    mb = jnp.max(lv)
    sa = jnp.sum(w * jnp.exp(lm - ma))
    sb = jnp.sum((w * w) * jnp.exp(lv - mb))
    outm_ref[0] = jnp.full((8, 128), ma + jnp.log(sa), dtype=jnp.float32)
    outv_ref[0] = jnp.full((8, 128), mb + jnp.log(sb), dtype=jnp.float32)

    bias = bias_sc[pl.ds(jnp.minimum(b, B - 1), 1), :]
    acc = jnp.dot(rho_ref[0].astype(jnp.bfloat16), Wf1r_ref[...],
                  preferred_element_type=jnp.float32)
    hf = jnp.maximum(acc + bias, 0.0).astype(jnp.bfloat16)
    lmv = jnp.dot(hf, W2b_ref[...],
                  preferred_element_type=jnp.float32)
    lmv_sc[pl.ds(b % 2, 1)] = lmv[None]

    bias_sc[pl.ds(jnp.minimum(b + 1, B - 1), 1), :] = _mlp_bias(
        _hist_row(ph_ref, jnp.minimum(b + 1, B - 1)), cflat_ref, W1_ref,
        b1_ref, W2_ref, b2_ref, Wf1c_ref, bf1_ref)


@jax.jit
def kernel(rho, c, w, l, roads, lon_idx, lat_idx, W1, b1, W2, b2, Wf1, bf1,
           W21, b21, W22, b22):
    cc = jnp.transpose(jnp.squeeze(c, axis=0), (1, 2, 0))
    c_flat = cc.reshape(GRID * GRID, D_C)
    c_flat = jnp.pad(c_flat, ((0, K_PAD - GRID * GRID), (0, 0)))

    idx = (lat_idx.astype(jnp.int32) * GRID + lon_idx.astype(jnp.int32))
    gidx = idx + jnp.arange(B, dtype=jnp.int32)[:, None] * K_PAD
    gidx = gidx.reshape(B, NC, SH // 128, 128)
    zeros = jnp.zeros((NB,), jnp.float32)
    w_col = w.reshape(B, S, 1)

    Wf1_r = Wf1[:D_RHO].astype(jnp.bfloat16)
    Wf1_c = Wf1[D_RHO:]
    W2b = jnp.pad(jnp.concatenate([W21, W22], axis=1),
                  ((0, 0), (0, 126))).astype(jnp.bfloat16)

    phist = _sc_histogram(gidx, zeros).reshape(NC, B, K_PAD)

    full = lambda shp: pl.BlockSpec(shp, lambda b: (0,) * len(shp))
    outm, outv = pl.pallas_call(
        _tc_body,
        grid=(B + 1,),
        in_specs=[
            full((NC, B, K_PAD)),
            pl.BlockSpec((1, S, D_RHO), lambda b: (jnp.minimum(b, B - 1), 0, 0)),
            pl.BlockSpec((1, S, 1), lambda b: (jnp.maximum(b - 1, 0), 0, 0)),
            full((K_PAD, D_C)),
            full((D_C, 256)),
            full((1, 256)),
            full((256, D_C)),
            full((1, D_C)),
            full((D_RHO, HID)),
            full((D_C, HID)),
            full((1, HID)),
            full((HID, 128)),
        ],
        out_specs=[
            pl.BlockSpec((1, 8, 128), lambda b: (jnp.maximum(b - 1, 0), 0, 0)),
            pl.BlockSpec((1, 8, 128), lambda b: (jnp.maximum(b - 1, 0), 0, 0)),
        ],
        out_shape=[
            jax.ShapeDtypeStruct((B, 8, 128), jnp.float32),
            jax.ShapeDtypeStruct((B, 8, 128), jnp.float32),
        ],
        scratch_shapes=[
            pltpu.VMEM((B, HID), jnp.float32),
            pltpu.VMEM((2, S, 128), jnp.float32),
        ],
        compiler_params=pltpu.CompilerParams(
            dimension_semantics=("arbitrary",)),
    )(phist, rho, w_col, c_flat, W1, b1.reshape(1, 256), W2,
      b2.reshape(1, D_C), Wf1_r, Wf1_c, bf1.reshape(1, HID), W2b)

    logm_agg = outm[:, 0, 0] + b21[0]
    logv_agg = outv[:, 0, 0] + b22[0]
    logl = jnp.log(l)
    return (logl - logm_agg, logl - 3.0 * logm_agg - logv_agg)

# --- scband reference (transcript-rebuilt; emitter-appended) ---
"""Pipeline reference for scband-prob-travel-time-spatial-25134148616286 (READ-ONLY COPY).

The authoritative reference and input builder live on the scoring server;
editing this copy changes nothing except your own understanding.
"""

import jax, jax.numpy as jnp
import numpy as np

B, S, D_RHO, D_C, HID = 16, 2048, 256, 128, 512
GRID = 17

def setup_inputs(seed: int = 0) -> dict:
    key = jax.random.key(seed)
    ks = jax.random.split(key, 20)
    inp = {}
    inp['rho'] = jax.random.normal(ks[0], (B, S, D_RHO), dtype=jnp.float32)
    inp['c'] = jax.random.normal(ks[1], (1, D_C, GRID, GRID), dtype=jnp.float32)
    inp['w'] = jax.random.uniform(ks[2], (B, S), dtype=jnp.float32, minval=1e-4, maxval=1.0)
    inp['l'] = jax.random.uniform(ks[3], (B,), dtype=jnp.float32, minval=1e-2, maxval=10.0)
    inp['roads'] = jax.random.randint(ks[4], (B, S), 0, GRID * GRID, dtype=jnp.int64) if jax.config.jax_enable_x64 else jax.random.randint(ks[4], (B, S), 0, GRID * GRID, dtype=jnp.int32)
    inp['lon_idx'] = jax.random.randint(ks[5], (B, S), 0, GRID, dtype=jnp.int32)
    inp['lat_idx'] = jax.random.randint(ks[6], (B, S), 0, GRID, dtype=jnp.int32)
    # f2 = MLP(128, 256, 128, dropout=0.2, use_selu=True)  (dropout = identity in eval)
    inp['W1'] = 0.05 * jax.random.normal(ks[7], (128, 256), dtype=jnp.float32)
    inp['b1'] = jnp.zeros((256,), dtype=jnp.float32)
    inp['W2'] = 0.05 * jax.random.normal(ks[8], (256, 128), dtype=jnp.float32)
    inp['b2'] = jnp.zeros((128,), dtype=jnp.float32)
    # f = MLP2(dim_rho + dim_c, hidden_size, 1, dropout, use_selu=False -> relu)
    inp['Wf1'] = 0.05 * jax.random.normal(ks[9], (D_RHO + D_C, HID), dtype=jnp.float32)
    inp['bf1'] = jnp.zeros((HID,), dtype=jnp.float32)
    inp['W21'] = 0.05 * jax.random.normal(ks[10], (HID, 1), dtype=jnp.float32)
    inp['b21'] = jnp.zeros((1,), dtype=jnp.float32)
    inp['W22'] = 0.05 * jax.random.normal(ks[11], (HID, 1), dtype=jnp.float32)
    inp['b22'] = jnp.zeros((1,), dtype=jnp.float32)
    return inp


def reference(rho, c, w, l, roads, lon_idx, lat_idx, W1, b1, W2, b2, Wf1, bf1, W21, b21, W22, b22):
    # c: (1, dim_c, H, W) -> squeeze -> (dim_c, H, W) -> permute(1,2,0) -> (H, W, dim_c)
    cc = jnp.squeeze(c, axis=0)
    cc = jnp.transpose(cc, (1, 2, 0))
    c_flat = cc.reshape(-1, cc.shape[-1])  # (H*W, dim_c)
    # per-trajectory spatial gather: idx = lat*17 + lon
    idx = lat_idx.astype(jnp.int32) * GRID + lon_idx.astype(jnp.int32)  # (B, R)
    embed = jnp.take(c_flat, idx, axis=0)  # (B, R, dim_c)
    c_stack = jnp.mean(embed, axis=1)  # (B, dim_c)
    # f2: selu MLP (dropout identity in eval)
    h2 = jax.nn.selu(c_stack @ W1 + b1)
    c_tr = h2 @ W2 + b2  # (B, 128)
    c_exp = jnp.broadcast_to(c_tr[:, None, :], (rho.shape[0], rho.shape[1], c_tr.shape[-1]))
    x = jnp.concatenate((rho, c_exp), axis=2)  # (B, S, dim_rho + dim_c)
    # f: MLP2 with relu
    hf = jax.nn.relu(x @ Wf1 + bf1)
    logm = (hf @ W21 + b21)[..., 0]  # (B, S)
    logv = (hf @ W22 + b22)[..., 0]  # (B, S)
    logm_agg = jax.scipy.special.logsumexp(logm + jnp.log(w), axis=1)
    logv_agg = jax.scipy.special.logsumexp(logv + 2.0 * jnp.log(w), axis=1)
    logl = jnp.log(l)
    logmu = logl - logm_agg
    loglam = logl - 3.0 * logm_agg - logv_agg
    return (logmu, loglam)

if __name__ == "__main__":
    import jax
    _d = setup_inputs()
    print(jax.jit(kernel)(*tuple(_d.values())))

</pallas_src>

<mosaic_0001>
#map = affine_map<(d0, d1) -> (0, 0, 0, 0)>
#map1 = affine_map<(d0, d1) -> (0)>
#map2 = affine_map<(d0, d1) -> (0, 0)>
module attributes {stable_mosaic.version = 14 : i64} {
  func.func @_sc_hist_body(%arg0: i32, %arg1: i32, %arg2: memref<16x2x8x128xi32, #tpu.memory_space<hbm>>, %arg3: memref<6144xf32, #tpu.memory_space<hbm>>, %arg4: memref<2x6144xf32, #tpu.memory_space<hbm>>, %arg5: memref<8x128xi32, #tpu.memory_space<vmem>>, %arg6: memref<128xf32, #tpu.memory_space<vmem>>, %arg7: memref<6144xf32, #tpu.memory_space<vmem_shared>>) attributes {dimension_semantics = [#tpu.dimension_semantics<core_parallel>, #tpu.dimension_semantics<subcore_parallel>], iteration_bounds = array<i64: 2, 16>, scalar_prefetch = 0 : i64, scratch_operands = 3 : i64, tpu.core_type = #tpu.core_type<sc_vector_subcore>, window_params = [{transform_indices = #map}, {transform_indices = #map1}, {transform_indices = #map2}]} {
    "tpu.region"() ({
      %run_scoped3A_61 = tpu.sem_alloc : memref<!tpu.dma_semaphore, #tpu.memory_space<semaphore_mem>>
      %dma_start3A = arith.constant 0 : i32
      %dma_start3A_62 = arith.constant 0 : i32
      %dma_start3A_63 = tpu.memref_slice %arg2[%arg1, %arg0, %dma_start3A, %dma_start3A_62] : memref<16x2x8x128xi32, #tpu.memory_space<hbm>> -> memref<1x1x8x128xi32, #tpu.memory_space<hbm>>
      %dma_start3A_64 = tpu.memref_squeeze %dma_start3A_63 : memref<1x1x8x128xi32, #tpu.memory_space<hbm>> -> memref<8x128xi32, #tpu.memory_space<hbm>>
      %dma_start3A_65 = arith.constant 0 : i32
      %dma_start3A_66 = arith.constant 0 : i32
      %dma_start3A_67 = tpu.memref_slice %arg2[%arg1, %arg0, %dma_start3A_65, %dma_start3A_66] : memref<16x2x8x128xi32, #tpu.memory_space<hbm>> -> memref<1x1x8x128xi32, #tpu.memory_space<hbm>>
      %dma_start3A_68 = tpu.memref_squeeze %dma_start3A_67 : memref<1x1x8x128xi32, #tpu.memory_space<hbm>> -> memref<8x128xi32, #tpu.memory_space<hbm>>
      tpu.enqueue_dma source(%dma_start3A_68 : memref<8x128xi32, #tpu.memory_space<hbm>>) target(%arg5 : memref<8x128xi32, #tpu.memory_space<vmem>>) target_semaphore(%run_scoped3A_61 : memref<!tpu.dma_semaphore, #tpu.memory_space<semaphore_mem>>)
      %dma_wait3A = arith.constant 0 : i32
      %dma_wait3A_69 = arith.constant 0 : i32
      %dma_wait3A_70 = tpu.memref_slice %arg2[%arg1, %arg0, %dma_wait3A, %dma_wait3A_69] : memref<16x2x8x128xi32, #tpu.memory_space<hbm>> -> memref<1x1x8x128xi32, #tpu.memory_space<hbm>>
      %dma_wait3A_71 = tpu.memref_squeeze %dma_wait3A_70 : memref<1x1x8x128xi32, #tpu.memory_space<hbm>> -> memref<8x128xi32, #tpu.memory_space<hbm>>
      %dma_wait3A_72 = arith.constant 0 : i32
      %dma_wait3A_73 = arith.constant 0 : i32
      %dma_wait3A_74 = tpu.memref_slice %arg2[%arg1, %arg0, %dma_wait3A_72, %dma_wait3A_73] : memref<16x2x8x128xi32, #tpu.memory_space<hbm>> -> memref<1x1x8x128xi32, #tpu.memory_space<hbm>>
      %dma_wait3A_75 = tpu.memref_squeeze %dma_wait3A_74 : memref<1x1x8x128xi32, #tpu.memory_space<hbm>> -> memref<8x128xi32, #tpu.memory_space<hbm>>
      tpu.wait_dma2 semaphore(%run_scoped3A_61 : memref<!tpu.dma_semaphore, #tpu.memory_space<semaphore_mem>>) src(%dma_wait3A_75 : memref<8x128xi32, #tpu.memory_space<hbm>>) dst(%arg5 : memref<8x128xi32, #tpu.memory_space<vmem>>)
      tpu.yield
    }) : () -> ()
    %broadcast_in_dim3A = arith.constant 1.000000e+00 : f32
    %broadcast_in_dim3A_0 = vector.broadcast %broadcast_in_dim3A : f32 to vector<16xf32>
    %swap3A = arith.constant 0 : index
    %swap3A_1 = tpu.vector_load %arg6[%swap3A] {strides = array<i32>} : memref<128xf32, #tpu.memory_space<vmem>>, vector<16xf32>,
    %swap3A_2 = vector.shape_cast %swap3A_1 : vector<16xf32> to vector<16xf32>
    %swap3A_3 = vector.shape_cast %broadcast_in_dim3A_0 : vector<16xf32> to vector<16xf32>
    tpu.vector_store %arg6[%swap3A], %swap3A_3 {strides = array<i32>} : memref<128xf32, #tpu.memory_space<vmem>>, vector<16xf32>,
    %broadcast_in_dim3A_4 = arith.constant 1.000000e+00 : f32
    %broadcast_in_dim3A_5 = vector.broadcast %broadcast_in_dim3A_4 : f32 to vector<16xf32>
    %swap3A_6 = arith.constant 16 : index
    %swap3A_7 = tpu.vector_load %arg6[%swap3A_6] {strides = array<i32>} : memref<128xf32, #tpu.memory_space<vmem>>, vector<16xf32>,
    %swap3A_8 = vector.shape_cast %swap3A_7 : vector<16xf32> to vector<16xf32>
    %swap3A_9 = vector.shape_cast %broadcast_in_dim3A_5 : vector<16xf32> to vector<16xf32>
    tpu.vector_store %arg6[%swap3A_6], %swap3A_9 {strides = array<i32>} : memref<128xf32, #tpu.memory_space<vmem>>, vector<16xf32>,
    %broadcast_in_dim3A_10 = arith.constant 1.000000e+00 : f32
    %broadcast_in_dim3A_11 = vector.broadcast %broadcast_in_dim3A_10 : f32 to vector<16xf32>
    %swap3A_12 = arith.constant 32 : index
    %swap3A_13 = tpu.vector_load %arg6[%swap3A_12] {strides = array<i32>} : memref<128xf32, #tpu.memory_space<vmem>>, vector<16xf32>,
    %swap3A_14 = vector.shape_cast %swap3A_13 : vector<16xf32> to vector<16xf32>
    %swap3A_15 = vector.shape_cast %broadcast_in_dim3A_11 : vector<16xf32> to vector<16xf32>
    tpu.vector_store %arg6[%swap3A_12], %swap3A_15 {strides = array<i32>} : memref<128xf32, #tpu.memory_space<vmem>>, vector<16xf32>,
    %broadcast_in_dim3A_16 = arith.constant 1.000000e+00 : f32
    %broadcast_in_dim3A_17 = vector.broadcast %broadcast_in_dim3A_16 : f32 to vector<16xf32>
    %swap3A_18 = arith.constant 48 : index
    %swap3A_19 = tpu.vector_load %arg6[%swap3A_18] {strides = array<i32>} : memref<128xf32, #tpu.memory_space<vmem>>, vector<16xf32>,
    %swap3A_20 = vector.shape_cast %swap3A_19 : vector<16xf32> to vector<16xf32>
    %swap3A_21 = vector.shape_cast %broadcast_in_dim3A_17 : vector<16xf32> to vector<16xf32>
    tpu.vector_store %arg6[%swap3A_18], %swap3A_21 {strides = array<i32>} : memref<128xf32, #tpu.memory_space<vmem>>, vector<16xf32>,
    %broadcast_in_dim3A_22 = arith.constant 1.000000e+00 : f32
    %broadcast_in_dim3A_23 = vector.broadcast %broadcast_in_dim3A_22 : f32 to vector<16xf32>
    %swap3A_24 = arith.constant 64 : index
    %swap3A_25 = tpu.vector_load %arg6[%swap3A_24] {strides = array<i32>} : memref<128xf32, #tpu.memory_space<vmem>>, vector<16xf32>,
    %swap3A_26 = vector.shape_cast %swap3A_25 : vector<16xf32> to vector<16xf32>
    %swap3A_27 = vector.shape_cast %broadcast_in_dim3A_23 : vector<16xf32> to vector<16xf32>
    tpu.vector_store %arg6[%swap3A_24], %swap3A_27 {strides = array<i32>} : memref<128xf32, #tpu.memory_space<vmem>>, vector<16xf32>,
    %broadcast_in_dim3A_28 = arith.constant 1.000000e+00 : f32
    %broadcast_in_dim3A_29 = vector.broadcast %broadcast_in_dim3A_28 : f32 to vector<16xf32>
    %swap3A_30 = arith.constant 80 : index
    %swap3A_31 = tpu.vector_load %arg6[%swap3A_30] {strides = array<i32>} : memref<128xf32, #tpu.memory_space<vmem>>, vector<16xf32>,
    %swap3A_32 = vector.shape_cast %swap3A_31 : vector<16xf32> to vector<16xf32>
    %swap3A_33 = vector.shape_cast %broadcast_in_dim3A_29 : vector<16xf32> to vector<16xf32>
    tpu.vector_store %arg6[%swap3A_30], %swap3A_33 {strides = array<i32>} : memref<128xf32, #tpu.memory_space<vmem>>, vector<16xf32>,
    %broadcast_in_dim3A_34 = arith.constant 1.000000e+00 : f32
    %broadcast_in_dim3A_35 = vector.broadcast %broadcast_in_dim3A_34 : f32 to vector<16xf32>
    %swap3A_36 = arith.constant 96 : index
    %swap3A_37 = tpu.vector_load %arg6[%swap3A_36] {strides = array<i32>} : memref<128xf32, #tpu.memory_space<vmem>>, vector<16xf32>,
    %swap3A_38 = vector.shape_cast %swap3A_37 : vector<16xf32> to vector<16xf32>
    %swap3A_39 = vector.shape_cast %broadcast_in_dim3A_35 : vector<16xf32> to vector<16xf32>
    tpu.vector_store %arg6[%swap3A_36], %swap3A_39 {strides = array<i32>} : memref<128xf32, #tpu.memory_space<vmem>>, vector<16xf32>,
    %broadcast_in_dim3A_40 = arith.constant 1.000000e+00 : f32
    %broadcast_in_dim3A_41 = vector.broadcast %broadcast_in_dim3A_40 : f32 to vector<16xf32>
    %swap3A_42 = arith.constant 112 : index
    %swap3A_43 = tpu.vector_load %arg6[%swap3A_42] {strides = array<i32>} : memref<128xf32, #tpu.memory_space<vmem>>, vector<16xf32>,
    %swap3A_44 = vector.shape_cast %swap3A_43 : vector<16xf32> to vector<16xf32>
    %swap3A_45 = vector.shape_cast %broadcast_in_dim3A_41 : vector<16xf32> to vector<16xf32>
    tpu.vector_store %arg6[%swap3A_42], %swap3A_45 {strides = array<i32>} : memref<128xf32, #tpu.memory_space<vmem>>, vector<16xf32>,
    %eq3A = arith.constant 0 : i32
    %eq3A_46 = arith.cmpi eq, %arg1, %eq3A : i32
    %convert_element_type3A = arith.extui %eq3A_46 : i1 to i32
    %cond3A = arith.constant 0 : i32
    %cond3A_47 = arith.cmpi ne, %convert_element_type3A, %cond3A : i32
    scf.if %cond3A_47 {
      "tpu.region"() ({
        %run_scoped3A_61 = tpu.sem_alloc : memref<!tpu.dma_semaphore, #tpu.memory_space<semaphore_mem>>
        tpu.enqueue_dma source(%arg3 : memref<6144xf32, #tpu.memory_space<hbm>>) target(%arg7 : memref<6144xf32, #tpu.memory_space<vmem_shared>>) target_semaphore(%run_scoped3A_61 : memref<!tpu.dma_semaphore, #tpu.memory_space<semaphore_mem>>)
        tpu.wait_dma2 semaphore(%run_scoped3A_61 : memref<!tpu.dma_semaphore, #tpu.memory_space<semaphore_mem>>) src(%arg3 : memref<6144xf32, #tpu.memory_space<hbm>>) dst(%arg7 : memref<6144xf32, #tpu.memory_space<vmem_shared>>)
        tpu.yield
      }) : () -> ()
    } else {
    }
    %barrier3A = arith.constant 0 : index
    tpu.barrier barrier_id(%barrier3A)
    %run_scoped3A = arith.constant 0 : i32
    "tpu.region"() ({
      %run_scoped3A_61 = tpu.sem_alloc : memref<!tpu.dma_semaphore, #tpu.memory_space<semaphore_mem>>
      %dma_start3A = arith.constant 0 : i32
      %dma_start3A_62 = tpu.memref_slice %arg5[%run_scoped3A, %dma_start3A] : memref<8x128xi32, #tpu.memory_space<vmem>> -> memref<1x128xi32, #tpu.memory_space<vmem>>
      %dma_start3A_63 = tpu.memref_squeeze %dma_start3A_62 : memref<1x128xi32, #tpu.memory_space<vmem>> -> memref<128xi32, #tpu.memory_space<vmem>>
      %dma_start3A_64 = arith.constant 0 : i32
      %dma_start3A_65 = tpu.memref_slice %arg7[%dma_start3A_64] : memref<6144xf32, #tpu.memory_space<vmem_shared>> -> memref<6144xf32, #tpu.memory_space<vmem_shared>>
      tpu.enqueue_indirect_dma source(%arg6 : memref<128xf32, #tpu.memory_space<vmem>>) target(%dma_start3A_65 : memref<6144xf32, #tpu.memory_space<vmem_shared>>) offsets(%dma_start3A_63 : memref<128xi32, #tpu.memory_space<vmem>>) semaphore(%run_scoped3A_61 : memref<!tpu.dma_semaphore, #tpu.memory_space<semaphore_mem>>) {add = true}
      %dma_wait3A = arith.constant 0 : i32
      %dma_wait3A_66 = tpu.memref_slice %arg5[%run_scoped3A, %dma_wait3A] : memref<8x128xi32, #tpu.memory_space<vmem>> -> memref<1x128xi32, #tpu.memory_space<vmem>>
      %dma_wait3A_67 = tpu.memref_squeeze %dma_wait3A_66 : memref<1x128xi32, #tpu.memory_space<vmem>> -> memref<128xi32, #tpu.memory_space<vmem>>
      %dma_wait3A_68 = arith.constant 0 : i32
      %dma_wait3A_69 = tpu.memref_slice %arg7[%dma_wait3A_68] : memref<6144xf32, #tpu.memory_space<vmem_shared>> -> memref<6144xf32, #tpu.memory_space<vmem_shared>>
      tpu.wait_indirect_dma semaphore(%run_scoped3A_61 : memref<!tpu.dma_semaphore, #tpu.memory_space<semaphore_mem>>) src(%arg6 : memref<128xf32, #tpu.memory_space<vmem>>) dst(%dma_wait3A_69 : memref<6144xf32, #tpu.memory_space<vmem_shared>>)
      tpu.yield
    }) : () -> ()
    %run_scoped3A_48 = arith.constant 1 : i32
    "tpu.region"() ({
      %run_scoped3A_61 = tpu.sem_alloc : memref<!tpu.dma_semaphore, #tpu.memory_space<semaphore_mem>>
      %dma_start3A = arith.constant 0 : i32
      %dma_start3A_62 = tpu.memref_slice %arg5[%run_scoped3A_48, %dma_start3A] : memref<8x128xi32, #tpu.memory_space<vmem>> -> memref<1x128xi32, #tpu.memory_space<vmem>>
      %dma_start3A_63 = tpu.memref_squeeze %dma_start3A_62 : memref<1x128xi32, #tpu.memory_space<vmem>> -> memref<128xi32, #tpu.memory_space<vmem>>
      %dma_start3A_64 = arith.constant 0 : i32
      %dma_start3A_65 = tpu.memref_slice %arg7[%dma_start3A_64] : memref<6144xf32, #tpu.memory_space<vmem_shared>> -> memref<6144xf32, #tpu.memory_space<vmem_shared>>
      tpu.enqueue_indirect_dma source(%arg6 : memref<128xf32, #tpu.memory_space<vmem>>) target(%dma_start3A_65 : memref<6144xf32, #tpu.memory_space<vmem_shared>>) offsets(%dma_start3A_63 : memref<128xi32, #tpu.memory_space<vmem>>) semaphore(%run_scoped3A_61 : memref<!tpu.dma_semaphore, #tpu.memory_space<semaphore_mem>>) {add = true}
      %dma_wait3A = arith.constant 0 : i32
      %dma_wait3A_66 = tpu.memref_slice %arg5[%run_scoped3A_48, %dma_wait3A] : memref<8x128xi32, #tpu.memory_space<vmem>> -> memref<1x128xi32, #tpu.memory_space<vmem>>
      %dma_wait3A_67 = tpu.memref_squeeze %dma_wait3A_66 : memref<1x128xi32, #tpu.memory_space<vmem>> -> memref<128xi32, #tpu.memory_space<vmem>>
      %dma_wait3A_68 = arith.constant 0 : i32
      %dma_wait3A_69 = tpu.memref_slice %arg7[%dma_wait3A_68] : memref<6144xf32, #tpu.memory_space<vmem_shared>> -> memref<6144xf32, #tpu.memory_space<vmem_shared>>
      tpu.wait_indirect_dma semaphore(%run_scoped3A_61 : memref<!tpu.dma_semaphore, #tpu.memory_space<semaphore_mem>>) src(%arg6 : memref<128xf32, #tpu.memory_space<vmem>>) dst(%dma_wait3A_69 : memref<6144xf32, #tpu.memory_space<vmem_shared>>)
      tpu.yield
    }) : () -> ()
    %run_scoped3A_49 = arith.constant 2 : i32
    "tpu.region"() ({
      %run_scoped3A_61 = tpu.sem_alloc : memref<!tpu.dma_semaphore, #tpu.memory_space<semaphore_mem>>
      %dma_start3A = arith.constant 0 : i32
      %dma_start3A_62 = tpu.memref_slice %arg5[%run_scoped3A_49, %dma_start3A] : memref<8x128xi32, #tpu.memory_space<vmem>> -> memref<1x128xi32, #tpu.memory_space<vmem>>
      %dma_start3A_63 = tpu.memref_squeeze %dma_start3A_62 : memref<1x128xi32, #tpu.memory_space<vmem>> -> memref<128xi32, #tpu.memory_space<vmem>>
      %dma_start3A_64 = arith.constant 0 : i32
      %dma_start3A_65 = tpu.memref_slice %arg7[%dma_start3A_64] : memref<6144xf32, #tpu.memory_space<vmem_shared>> -> memref<6144xf32, #tpu.memory_space<vmem_shared>>
      tpu.enqueue_indirect_dma source(%arg6 : memref<128xf32, #tpu.memory_space<vmem>>) target(%dma_start3A_65 : memref<6144xf32, #tpu.memory_space<vmem_shared>>) offsets(%dma_start3A_63 : memref<128xi32, #tpu.memory_space<vmem>>) semaphore(%run_scoped3A_61 : memref<!tpu.dma_semaphore, #tpu.memory_space<semaphore_mem>>) {add = true}
      %dma_wait3A = arith.constant 0 : i32
      %dma_wait3A_66 = tpu.memref_slice %arg5[%run_scoped3A_49, %dma_wait3A] : memref<8x128xi32, #tpu.memory_space<vmem>> -> memref<1x128xi32, #tpu.memory_space<vmem>>
      %dma_wait3A_67 = tpu.memref_squeeze %dma_wait3A_66 : memref<1x128xi32, #tpu.memory_space<vmem>> -> memref<128xi32, #tpu.memory_space<vmem>>
      %dma_wait3A_68 = arith.constant 0 : i32
      %dma_wait3A_69 = tpu.memref_slice %arg7[%dma_wait3A_68] : memref<6144xf32, #tpu.memory_space<vmem_shared>> -> memref<6144xf32, #tpu.memory_space<vmem_shared>>
      tpu.wait_indirect_dma semaphore(%run_scoped3A_61 : memref<!tpu.dma_semaphore, #tpu.memory_space<semaphore_mem>>) src(%arg6 : memref<128xf32, #tpu.memory_space<vmem>>) dst(%dma_wait3A_69 : memref<6144xf32, #tpu.memory_space<vmem_shared>>)
      tpu.yield
    }) : () -> ()
    %run_scoped3A_50 = arith.constant 3 : i32
    "tpu.region"() ({
      %run_scoped3A_61 = tpu.sem_alloc : memref<!tpu.dma_semaphore, #tpu.memory_space<semaphore_mem>>
      %dma_start3A = arith.constant 0 : i32
      %dma_start3A_62 = tpu.memref_slice %arg5[%run_scoped3A_50, %dma_start3A] : memref<8x128xi32, #tpu.memory_space<vmem>> -> memref<1x128xi32, #tpu.memory_space<vmem>>
      %dma_start3A_63 = tpu.memref_squeeze %dma_start3A_62 : memref<1x128xi32, #tpu.memory_space<vmem>> -> memref<128xi32, #tpu.memory_space<vmem>>
      %dma_start3A_64 = arith.constant 0 : i32
      %dma_start3A_65 = tpu.memref_slice %arg7[%dma_start3A_64] : memref<6144xf32, #tpu.memory_space<vmem_shared>> -> memref<6144xf32, #tpu.memory_space<vmem_shared>>
      tpu.enqueue_indirect_dma source(%arg6 : memref<128xf32, #tpu.memory_space<vmem>>) target(%dma_start3A_65 : memref<6144xf32, #tpu.memory_space<vmem_shared>>) offsets(%dma_start3A_63 : memref<128xi32, #tpu.memory_space<vmem>>) semaphore(%run_scoped3A_61 : memref<!tpu.dma_semaphore, #tpu.memory_space<semaphore_mem>>) {add = true}
      %dma_wait3A = arith.constant 0 : i32
      %dma_wait3A_66 = tpu.memref_slice %arg5[%run_scoped3A_50, %dma_wait3A] : memref<8x128xi32, #tpu.memory_space<vmem>> -> memref<1x128xi32, #tpu.memory_space<vmem>>
      %dma_wait3A_67 = tpu.memref_squeeze %dma_wait3A_66 : memref<1x128xi32, #tpu.memory_space<vmem>> -> memref<128xi32, #tpu.memory_space<vmem>>
      %dma_wait3A_68 = arith.constant 0 : i32
      %dma_wait3A_69 = tpu.memref_slice %arg7[%dma_wait3A_68] : memref<6144xf32, #tpu.memory_space<vmem_shared>> -> memref<6144xf32, #tpu.memory_space<vmem_shared>>
      tpu.wait_indirect_dma semaphore(%run_scoped3A_61 : memref<!tpu.dma_semaphore, #tpu.memory_space<semaphore_mem>>) src(%arg6 : memref<128xf32, #tpu.memory_space<vmem>>) dst(%dma_wait3A_69 : memref<6144xf32, #tpu.memory_space<vmem_shared>>)
      tpu.yield
    }) : () -> ()
    %run_scoped3A_51 = arith.constant 4 : i32
    "tpu.region"() ({
      %run_scoped3A_61 = tpu.sem_alloc : memref<!tpu.dma_semaphore, #tpu.memory_space<semaphore_mem>>
      %dma_start3A = arith.constant 0 : i32
      %dma_start3A_62 = tpu.memref_slice %arg5[%run_scoped3A_51, %dma_start3A] : memref<8x128xi32, #tpu.memory_space<vmem>> -> memref<1x128xi32, #tpu.memory_space<vmem>>
      %dma_start3A_63 = tpu.memref_squeeze %dma_start3A_62 : memref<1x128xi32, #tpu.memory_space<vmem>> -> memref<128xi32, #tpu.memory_space<vmem>>
      %dma_start3A_64 = arith.constant 0 : i32
      %dma_start3A_65 = tpu.memref_slice %arg7[%dma_start3A_64] : memref<6144xf32, #tpu.memory_space<vmem_shared>> -> memref<6144xf32, #tpu.memory_space<vmem_shared>>
      tpu.enqueue_indirect_dma source(%arg6 : memref<128xf32, #tpu.memory_space<vmem>>) target(%dma_start3A_65 : memref<6144xf32, #tpu.memory_space<vmem_shared>>) offsets(%dma_start3A_63 : memref<128xi32, #tpu.memory_space<vmem>>) semaphore(%run_scoped3A_61 : memref<!tpu.dma_semaphore, #tpu.memory_space<semaphore_mem>>) {add = true}
      %dma_wait3A = arith.constant 0 : i32
      %dma_wait3A_66 = tpu.memref_slice %arg5[%run_scoped3A_51, %dma_wait3A] : memref<8x128xi32, #tpu.memory_space<vmem>> -> memref<1x128xi32, #tpu.memory_space<vmem>>
      %dma_wait3A_67 = tpu.memref_squeeze %dma_wait3A_66 : memref<1x128xi32, #tpu.memory_space<vmem>> -> memref<128xi32, #tpu.memory_space<vmem>>
      %dma_wait3A_68 = arith.constant 0 : i32
      %dma_wait3A_69 = tpu.memref_slice %arg7[%dma_wait3A_68] : memref<6144xf32, #tpu.memory_space<vmem_shared>> -> memref<6144xf32, #tpu.memory_space<vmem_shared>>
      tpu.wait_indirect_dma semaphore(%run_scoped3A_61 : memref<!tpu.dma_semaphore, #tpu.memory_space<semaphore_mem>>) src(%arg6 : memref<128xf32, #tpu.memory_space<vmem>>) dst(%dma_wait3A_69 : memref<6144xf32, #tpu.memory_space<vmem_shared>>)
      tpu.yield
    }) : () -> ()
    %run_scoped3A_52 = arith.constant 5 : i32
    "tpu.region"() ({
      %run_scoped3A_61 = tpu.sem_alloc : memref<!tpu.dma_semaphore, #tpu.memory_space<semaphore_mem>>
      %dma_start3A = arith.constant 0 : i32
      %dma_start3A_62 = tpu.memref_slice %arg5[%run_scoped3A_52, %dma_start3A] : memref<8x128xi32, #tpu.memory_space<vmem>> -> memref<1x128xi32, #tpu.memory_space<vmem>>
      %dma_start3A_63 = tpu.memref_squeeze %dma_start3A_62 : memref<1x128xi32, #tpu.memory_space<vmem>> -> memref<128xi32, #tpu.memory_space<vmem>>
      %dma_start3A_64 = arith.constant 0 : i32
      %dma_start3A_65 = tpu.memref_slice %arg7[%dma_start3A_64] : memref<6144xf32, #tpu.memory_space<vmem_shared>> -> memref<6144xf32, #tpu.memory_space<vmem_shared>>
      tpu.enqueue_indirect_dma source(%arg6 : memref<128xf32, #tpu.memory_space<vmem>>) target(%dma_start3A_65 : memref<6144xf32, #tpu.memory_space<vmem_shared>>) offsets(%dma_start3A_63 : memref<128xi32, #tpu.memory_space<vmem>>) semaphore(%run_scoped3A_61 : memref<!tpu.dma_semaphore, #tpu.memory_space<semaphore_mem>>) {add = true}
      %dma_wait3A = arith.constant 0 : i32
      %dma_wait3A_66 = tpu.memref_slice %arg5[%run_scoped3A_52, %dma_wait3A] : memref<8x128xi32, #tpu.memory_space<vmem>> -> memref<1x128xi32, #tpu.memory_space<vmem>>
      %dma_wait3A_67 = tpu.memref_squeeze %dma_wait3A_66 : memref<1x128xi32, #tpu.memory_space<vmem>> -> memref<128xi32, #tpu.memory_space<vmem>>
      %dma_wait3A_68 = arith.constant 0 : i32
      %dma_wait3A_69 = tpu.memref_slice %arg7[%dma_wait3A_68] : memref<6144xf32, #tpu.memory_space<vmem_shared>> -> memref<6144xf32, #tpu.memory_space<vmem_shared>>
      tpu.wait_indirect_dma semaphore(%run_scoped3A_61 : memref<!tpu.dma_semaphore, #tpu.memory_space<semaphore_mem>>) src(%arg6 : memref<128xf32, #tpu.memory_space<vmem>>) dst(%dma_wait3A_69 : memref<6144xf32, #tpu.memory_space<vmem_shared>>)
      tpu.yield
    }) : () -> ()
    %run_scoped3A_53 = arith.constant 6 : i32
    "tpu.region"() ({
      %run_scoped3A_61 = tpu.sem_alloc : memref<!tpu.dma_semaphore, #tpu.memory_space<semaphore_mem>>
      %dma_start3A = arith.constant 0 : i32
      %dma_start3A_62 = tpu.memref_slice %arg5[%run_scoped3A_53, %dma_start3A] : memref<8x128xi32, #tpu.memory_space<vmem>> -> memref<1x128xi32, #tpu.memory_space<vmem>>
      %dma_start3A_63 = tpu.memref_squeeze %dma_start3A_62 : memref<1x128xi32, #tpu.memory_space<vmem>> -> memref<128xi32, #tpu.memory_space<vmem>>
      %dma_start3A_64 = arith.constant 0 : i32
      %dma_start3A_65 = tpu.memref_slice %arg7[%dma_start3A_64] : memref<6144xf32, #tpu.memory_space<vmem_shared>> -> memref<6144xf32, #tpu.memory_space<vmem_shared>>
      tpu.enqueue_indirect_dma source(%arg6 : memref<128xf32, #tpu.memory_space<vmem>>) target(%dma_start3A_65 : memref<6144xf32, #tpu.memory_space<vmem_shared>>) offsets(%dma_start3A_63 : memref<128xi32, #tpu.memory_space<vmem>>) semaphore(%run_scoped3A_61 : memref<!tpu.dma_semaphore, #tpu.memory_space<semaphore_mem>>) {add = true}
      %dma_wait3A = arith.constant 0 : i32
      %dma_wait3A_66 = tpu.memref_slice %arg5[%run_scoped3A_53, %dma_wait3A] : memref<8x128xi32, #tpu.memory_space<vmem>> -> memref<1x128xi32, #tpu.memory_space<vmem>>
      %dma_wait3A_67 = tpu.memref_squeeze %dma_wait3A_66 : memref<1x128xi32, #tpu.memory_space<vmem>> -> memref<128xi32, #tpu.memory_space<vmem>>
      %dma_wait3A_68 = arith.constant 0 : i32
      %dma_wait3A_69 = tpu.memref_slice %arg7[%dma_wait3A_68] : memref<6144xf32, #tpu.memory_space<vmem_shared>> -> memref<6144xf32, #tpu.memory_space<vmem_shared>>
      tpu.wait_indirect_dma semaphore(%run_scoped3A_61 : memref<!tpu.dma_semaphore, #tpu.memory_space<semaphore_mem>>) src(%arg6 : memref<128xf32, #tpu.memory_space<vmem>>) dst(%dma_wait3A_69 : memref<6144xf32, #tpu.memory_space<vmem_shared>>)
      tpu.yield
    }) : () -> ()
    %run_scoped3A_54 = arith.constant 7 : i32
    "tpu.region"() ({
      %run_scoped3A_61 = tpu.sem_alloc : memref<!tpu.dma_semaphore, #tpu.memory_space<semaphore_mem>>
      %dma_start3A = arith.constant 0 : i32
      %dma_start3A_62 = tpu.memref_slice %arg5[%run_scoped3A_54, %dma_start3A] : memref<8x128xi32, #tpu.memory_space<vmem>> -> memref<1x128xi32, #tpu.memory_space<vmem>>
      %dma_start3A_63 = tpu.memref_squeeze %dma_start3A_62 : memref<1x128xi32, #tpu.memory_space<vmem>> -> memref<128xi32, #tpu.memory_space<vmem>>
      %dma_start3A_64 = arith.constant 0 : i32
      %dma_start3A_65 = tpu.memref_slice %arg7[%dma_start3A_64] : memref<6144xf32, #tpu.memory_space<vmem_shared>> -> memref<6144xf32, #tpu.memory_space<vmem_shared>>
      tpu.enqueue_indirect_dma source(%arg6 : memref<128xf32, #tpu.memory_space<vmem>>) target(%dma_start3A_65 : memref<6144xf32, #tpu.memory_space<vmem_shared>>) offsets(%dma_start3A_63 : memref<128xi32, #tpu.memory_space<vmem>>) semaphore(%run_scoped3A_61 : memref<!tpu.dma_semaphore, #tpu.memory_space<semaphore_mem>>) {add = true}
      %dma_wait3A = arith.constant 0 : i32
      %dma_wait3A_66 = tpu.memref_slice %arg5[%run_scoped3A_54, %dma_wait3A] : memref<8x128xi32, #tpu.memory_space<vmem>> -> memref<1x128xi32, #tpu.memory_space<vmem>>
      %dma_wait3A_67 = tpu.memref_squeeze %dma_wait3A_66 : memref<1x128xi32, #tpu.memory_space<vmem>> -> memref<128xi32, #tpu.memory_space<vmem>>
      %dma_wait3A_68 = arith.constant 0 : i32
      %dma_wait3A_69 = tpu.memref_slice %arg7[%dma_wait3A_68] : memref<6144xf32, #tpu.memory_space<vmem_shared>> -> memref<6144xf32, #tpu.memory_space<vmem_shared>>
      tpu.wait_indirect_dma semaphore(%run_scoped3A_61 : memref<!tpu.dma_semaphore, #tpu.memory_space<semaphore_mem>>) src(%arg6 : memref<128xf32, #tpu.memory_space<vmem>>) dst(%dma_wait3A_69 : memref<6144xf32, #tpu.memory_space<vmem_shared>>)
      tpu.yield
    }) : () -> ()
    %barrier3A_55 = arith.constant 0 : index
    tpu.barrier barrier_id(%barrier3A_55)
    %eq3A_56 = arith.constant 0 : i32
    %eq3A_57 = arith.cmpi eq, %arg1, %eq3A_56 : i32
    %convert_element_type3A_58 = arith.extui %eq3A_57 : i1 to i32
    %cond3A_59 = arith.constant 0 : i32
    %cond3A_60 = arith.cmpi ne, %convert_element_type3A_58, %cond3A_59 : i32
    scf.if %cond3A_60 {
      "tpu.region"() ({
        %run_scoped3A_61 = tpu.sem_alloc : memref<!tpu.dma_semaphore, #tpu.memory_space<semaphore_mem>>
        %dma_start3A = arith.constant 0 : i32
        %dma_start3A_62 = tpu.memref_slice %arg4[%arg0, %dma_start3A] : memref<2x6144xf32, #tpu.memory_space<hbm>> -> memref<1x6144xf32, #tpu.memory_space<hbm>>
        %dma_start3A_63 = tpu.memref_squeeze %dma_start3A_62 : memref<1x6144xf32, #tpu.memory_space<hbm>> -> memref<6144xf32, #tpu.memory_space<hbm>>
        tpu.enqueue_dma source(%arg7 : memref<6144xf32, #tpu.memory_space<vmem_shared>>) target(%dma_start3A_63 : memref<6144xf32, #tpu.memory_space<hbm>>) target_semaphore(%run_scoped3A_61 : memref<!tpu.dma_semaphore, #tpu.memory_space<semaphore_mem>>)
        %dma_wait3A = arith.constant 0 : i32
        %dma_wait3A_64 = tpu.memref_slice %arg4[%arg0, %dma_wait3A] : memref<2x6144xf32, #tpu.memory_space<hbm>> -> memref<1x6144xf32, #tpu.memory_space<hbm>>
        %dma_wait3A_65 = tpu.memref_squeeze %dma_wait3A_64 : memref<1x6144xf32, #tpu.memory_space<hbm>> -> memref<6144xf32, #tpu.memory_space<hbm>>
        tpu.wait_dma2 semaphore(%run_scoped3A_61 : memref<!tpu.dma_semaphore, #tpu.memory_space<semaphore_mem>>) src(%arg7 : memref<6144xf32, #tpu.memory_space<vmem_shared>>) dst(%dma_wait3A_65 : memref<6144xf32, #tpu.memory_space<hbm>>)
        tpu.yield
      }) : () -> ()
    } else {
    }
    return
  }
}

module attributes {stable_mosaic.version = 14 : i64} {
  func.func @_tc_body(%arg0: i32, %arg1: memref<2x16x384xf32, #tpu.memory_space<vmem>>, %arg2: memref<1x2048x256xf32, #tpu.memory_space<vmem>>, %arg3: memref<1x2048x1xf32, #tpu.memory_space<vmem>>, %arg4: memref<384x128xf32, #tpu.memory_space<vmem>>, %arg5: memref<128x256xf32, #tpu.memory_space<vmem>>, %arg6: memref<1x256xf32, #tpu.memory_space<vmem>>, %arg7: memref<256x128xf32, #tpu.memory_space<vmem>>, %arg8: memref<1x128xf32, #tpu.memory_space<vmem>>, %arg9: memref<256x512xbf16, #tpu.memory_space<vmem>>, %arg10: memref<128x512xf32, #tpu.memory_space<vmem>>, %arg11: memref<1x512xf32, #tpu.memory_space<vmem>>, %arg12: memref<512x128xbf16, #tpu.memory_space<vmem>>, %arg13: memref<1x8x128xf32, #tpu.memory_space<vmem>>, %arg14: memref<1x8x128xf32, #tpu.memory_space<vmem>>, %arg15: memref<16x512xf32, #tpu.memory_space<vmem>>, %arg16: memref<2x2048x128xf32, #tpu.memory_space<vmem>>) attributes {dimension_semantics = [#tpu.dimension_semantics<arbitrary>], iteration_bounds = array<i64: 17>, scalar_prefetch = 0 : i64, scratch_operands = 2 : i64, tpu.core_type = #tpu.core_type<tc>, window_params = [{pipeline_mode = #tpu.pipeline_mode<synchronous>, transform_indices = @transform_0, window_bounds = array<i64: 2, 16, 384>}, {transform_indices = @transform_1, window_bounds = array<i64: 1, 2048, 256>}, {transform_indices = @transform_2, window_bounds = array<i64: 1, 2048, 1>}, {pipeline_mode = #tpu.pipeline_mode<synchronous>, transform_indices = @transform_3, window_bounds = array<i64: 384, 128>}, {pipeline_mode = #tpu.pipeline_mode<synchronous>, transform_indices = @transform_4, window_bounds = array<i64: 128, 256>}, {pipeline_mode = #tpu.pipeline_mode<synchronous>, transform_indices = @transform_5, window_bounds = array<i64: 1, 256>}, {pipeline_mode = #tpu.pipeline_mode<synchronous>, transform_indices = @transform_6, window_bounds = array<i64: 256, 128>}, {pipeline_mode = #tpu.pipeline_mode<synchronous>, transform_indices = @transform_7, window_bounds = array<i64: 1, 128>}, {pipeline_mode = #tpu.pipeline_mode<synchronous>, transform_indices = @transform_8, window_bounds = array<i64: 256, 512>}, {pipeline_mode = #tpu.pipeline_mode<synchronous>, transform_indices = @transform_9, window_bounds = array<i64: 128, 512>}, {pipeline_mode = #tpu.pipeline_mode<synchronous>, transform_indices = @transform_10, window_bounds = array<i64: 1, 512>}, {pipeline_mode = #tpu.pipeline_mode<synchronous>, transform_indices = @transform_11, window_bounds = array<i64: 512, 128>}, {transform_indices = @transform_12, window_bounds = array<i64: 1, 8, 128>}, {transform_indices = @transform_13, window_bounds = array<i64: 1, 8, 128>}]} {
    %eq3A = arith.constant 0 : i32
    %eq3A_0 = arith.cmpi eq, %arg0, %eq3A : i32
    %convert_element_type3A = arith.extui %eq3A_0 : i1 to i32
    %cond3A = arith.constant 0 : i32
    %cond3A_1 = arith.cmpi ne, %convert_element_type3A, %cond3A : i32
    scf.if %cond3A_1 {
      %get3A_176 = arith.constant 0 : index
      %get3A_177 = arith.constant 0 : index
      %get3A_178 = arith.constant 0 : index
      %get3A_179 = vector.load %arg1[%get3A_176, %get3A_177, %get3A_178] : memref<2x16x384xf32, #tpu.memory_space<vmem>>, vector<1x1x384xf32>
      %get3A_180 = vector.shape_cast %get3A_179 : vector<1x1x384xf32> to vector<1x384xf32>
      %get3A_181 = arith.constant 1 : index
      %get3A_182 = arith.constant 0 : index
      %get3A_183 = arith.constant 0 : index
      %get3A_184 = vector.load %arg1[%get3A_181, %get3A_182, %get3A_183] : memref<2x16x384xf32, #tpu.memory_space<vmem>>, vector<1x1x384xf32>
      %get3A_185 = vector.shape_cast %get3A_184 : vector<1x1x384xf32> to vector<1x384xf32>
      %add3A_186 = arith.addf %get3A_180, %get3A_185 : vector<1x384xf32>
      %mul3A_187 = arith.constant 4.8828125E-4 : f32
      %mul3A_188 = vector.broadcast %mul3A_187 : f32 to vector<1x384xf32>
      %mul3A_189 = arith.mulf %add3A_186, %mul3A_188 : vector<1x384xf32>
      %get3A_190 = arith.constant 0 : index
      %get3A_191 = arith.constant 0 : index
      %get3A_192 = vector.load %arg4[%get3A_190, %get3A_191] : memref<384x128xf32, #tpu.memory_space<vmem>>, vector<384x128xf32>
      %dot_general3A_193 = arith.constant dense<0.000000e+00> : vector<1x128xf32>
      %dot_general3A_194 = tpu.matmul %mul3A_189, %get3A_192, %dot_general3A_193 {dimension_numbers = #tpu.dot_dimension_numbers<[1], [0], [0], [1], [0, 0, 1, 1], [], []>, transpose_lhs_hint = false} : vector<1x384xf32>, vector<384x128xf32>, vector<1x128xf32> -> vector<1x128xf32>
      %get3A_195 = arith.constant 0 : index
      %get3A_196 = arith.constant 0 : index
      %get3A_197 = vector.load %arg5[%get3A_195, %get3A_196] : memref<128x256xf32, #tpu.memory_space<vmem>>, vector<128x256xf32>
      %dot_general3A_198 = arith.constant dense<0.000000e+00> : vector<1x256xf32>
      %dot_general3A_199 = tpu.matmul %dot_general3A_194, %get3A_197, %dot_general3A_198 {dimension_numbers = #tpu.dot_dimension_numbers<[1], [0], [0], [1], [0, 0, 1, 1], [], []>, transpose_lhs_hint = false} : vector<1x128xf32>, vector<128x256xf32>, vector<1x256xf32> -> vector<1x256xf32>
      %get3A_200 = arith.constant 0 : index
      %get3A_201 = arith.constant 0 : index
      %get3A_202 = vector.load %arg6[%get3A_200, %get3A_201] : memref<1x256xf32, #tpu.memory_space<vmem>>, vector<1x256xf32>
      %add3A_203 = arith.addf %dot_general3A_199, %get3A_202 : vector<1x256xf32>
      %gt3A_204 = arith.constant 0.000000e+00 : f32
      %gt3A_205 = vector.broadcast %gt3A_204 : f32 to vector<1x256xf32>
      %gt3A_206 = arith.cmpf ogt, %add3A_203, %gt3A_205 : vector<1x256xf32>
      %exp3A_207 = math.exp %add3A_203 : vector<1x256xf32>
      %sub3A_208 = arith.constant 1.000000e+00 : f32
      %sub3A_209 = vector.broadcast %sub3A_208 : f32 to vector<1x256xf32>
      %sub3A_210 = arith.subf %exp3A_207, %sub3A_209 : vector<1x256xf32>
      %mul3A_211 = arith.constant 1.67326319 : f32
      %mul3A_212 = vector.broadcast %mul3A_211 : f32 to vector<1x256xf32>
      %mul3A_213 = arith.mulf %mul3A_212, %sub3A_210 : vector<1x256xf32>
      %select_n3A_214 = arith.select %gt3A_206, %add3A_203, %mul3A_213 : vector<1x256xi1>, vector<1x256xf32>
      %mul3A_215 = arith.constant 1.05070102 : f32
      %mul3A_216 = vector.broadcast %mul3A_215 : f32 to vector<1x256xf32>
      %mul3A_217 = arith.mulf %mul3A_216, %select_n3A_214 : vector<1x256xf32>
      %get3A_218 = arith.constant 0 : index
      %get3A_219 = arith.constant 0 : index
      %get3A_220 = vector.load %arg7[%get3A_218, %get3A_219] : memref<256x128xf32, #tpu.memory_space<vmem>>, vector<256x128xf32>
      %dot_general3A_221 = arith.constant dense<0.000000e+00> : vector<1x128xf32>
      %dot_general3A_222 = tpu.matmul %mul3A_217, %get3A_220, %dot_general3A_221 {dimension_numbers = #tpu.dot_dimension_numbers<[1], [0], [0], [1], [0, 0, 1, 1], [], []>, transpose_lhs_hint = false} : vector<1x256xf32>, vector<256x128xf32>, vector<1x128xf32> -> vector<1x128xf32>
      %get3A_223 = arith.constant 0 : index
      %get3A_224 = arith.constant 0 : index
      %get3A_225 = vector.load %arg8[%get3A_223, %get3A_224] : memref<1x128xf32, #tpu.memory_space<vmem>>, vector<1x128xf32>
      %add3A_226 = arith.addf %dot_general3A_222, %get3A_225 : vector<1x128xf32>
      %get3A_227 = arith.constant 0 : index
      %get3A_228 = arith.constant 0 : index
      %get3A_229 = vector.load %arg10[%get3A_227, %get3A_228] : memref<128x512xf32, #tpu.memory_space<vmem>>, vector<128x512xf32>
      %dot_general3A_230 = arith.constant dense<0.000000e+00> : vector<1x512xf32>
      %dot_general3A_231 = tpu.matmul %add3A_226, %get3A_229, %dot_general3A_230 {dimension_numbers = #tpu.dot_dimension_numbers<[1], [0], [0], [1], [0, 0, 1, 1], [], []>, transpose_lhs_hint = false} : vector<1x128xf32>, vector<128x512xf32>, vector<1x512xf32> -> vector<1x512xf32>
      %get3A_232 = arith.constant 0 : index
      %get3A_233 = arith.constant 0 : index
      %get3A_234 = vector.load %arg11[%get3A_232, %get3A_233] : memref<1x512xf32, #tpu.memory_space<vmem>>, vector<1x512xf32>
      %add3A_235 = arith.addf %dot_general3A_231, %get3A_234 : vector<1x512xf32>
      %swap3A_236 = arith.constant 0 : index
      %swap3A_237 = arith.constant 0 : index
      %swap3A_238 = vector.load %arg15[%swap3A_236, %swap3A_237] : memref<16x512xf32, #tpu.memory_space<vmem>>, vector<1x512xf32>
      tpu.vector_store %arg15[%swap3A_236, %swap3A_237], %add3A_235 {strides = array<i32>} : memref<16x512xf32, #tpu.memory_space<vmem>>, vector<1x512xf32>,
    } else {
    }
    %jit3A = arith.constant 2 : i32
    %eq3A_2 = arith.constant 0 : i32
    %eq3A_3 = arith.cmpi eq, %jit3A, %eq3A_2 : i32
    %jit3A_4 = arith.constant 1 : i32
    %select_n3A = arith.select %eq3A_3, %jit3A_4, %jit3A : i32
    %rem3A = arith.remsi %arg0, %select_n3A : i32
    %ne3A = arith.constant 0 : i32
    %ne3A_5 = arith.cmpi ne, %rem3A, %ne3A : i32
    %lt3A = arith.constant 0 : i32
    %lt3A_6 = arith.cmpi slt, %rem3A, %lt3A : i32
    %lt3A_7 = arith.constant 0 : i32
    %lt3A_8 = arith.cmpi slt, %select_n3A, %lt3A_7 : i32
    %ne3A_9 = arith.xori %lt3A_6, %lt3A_8 : i1
    %and3A = arith.andi %ne3A_9, %ne3A_5 : i1
    %add3A = arith.addi %rem3A, %select_n3A : i32
    %select_n3A_10 = arith.select %and3A, %add3A, %rem3A : i32
    %sub3A = arith.constant 1 : i32
    %sub3A_11 = arith.subi %sub3A, %select_n3A_10 : i32
    %get3A = arith.index_cast %sub3A_11 : i32 to index
    %get3A_12 = arith.constant 0 : index
    %get3A_13 = arith.constant 0 : index
    %get3A_14 = vector.load %arg16[%get3A, %get3A_12, %get3A_13] : memref<2x2048x128xf32, #tpu.memory_space<vmem>>, vector<1x2048x128xf32>
    %squeeze3A = vector.shape_cast %get3A_14 : vector<1x2048x128xf32> to vector<2048x128xf32>
    %get3A_15 = arith.constant 0 : index
    %get3A_16 = arith.constant 0 : index
    %get3A_17 = arith.constant 0 : index
    %get3A_18 = vector.load %arg3[%get3A_15, %get3A_16, %get3A_17] : memref<1x2048x1xf32, #tpu.memory_space<vmem>>, vector<1x2048x1xf32>
    %get3A_19 = vector.shape_cast %get3A_18 : vector<1x2048x1xf32> to vector<2048x1xf32>
    %slice3A = vector.extract_strided_slice %squeeze3A {offsets = [0, 0], sizes = [2048, 1], strides = [1, 1]} : vector<2048x128xf32> to vector<2048x1xf32>
    %slice3A_20 = vector.extract_strided_slice %squeeze3A {offsets = [0, 1], sizes = [2048, 1], strides = [1, 1]} : vector<2048x128xf32> to vector<2048x1xf32>
    %reduce_max3A = vector.shape_cast %slice3A : vector<2048x1xf32> to vector<1x2048x1xf32>
    %reduce_max3A_21 = arith.constant dense<0xFF800000> : vector<1xf32>
    %reduce_max3A_22 = vector.multi_reduction <maximumf>, %reduce_max3A, %reduce_max3A_21 [1, 2] : vector<1x2048x1xf32> to vector<1xf32>
    %reduce_max3A_23 = vector.shape_cast %reduce_max3A_22 : vector<1xf32> to vector<1x1x1xf32>
    %reduce_max3A_24 = vector.extract %reduce_max3A_23[0, 0, 0] : f32 from vector<1x1x1xf32>
    %reduce_max3A_25 = vector.shape_cast %slice3A_20 : vector<2048x1xf32> to vector<1x2048x1xf32>
    %reduce_max3A_26 = arith.constant dense<0xFF800000> : vector<1xf32>
    %reduce_max3A_27 = vector.multi_reduction <maximumf>, %reduce_max3A_25, %reduce_max3A_26 [1, 2] : vector<1x2048x1xf32> to vector<1xf32>
    %reduce_max3A_28 = vector.shape_cast %reduce_max3A_27 : vector<1xf32> to vector<1x1x1xf32>
    %reduce_max3A_29 = vector.extract %reduce_max3A_28[0, 0, 0] : f32 from vector<1x1x1xf32>
    %sub3A_30 = vector.broadcast %reduce_max3A_24 : f32 to vector<2048x1xf32>
    %sub3A_31 = arith.subf %slice3A, %sub3A_30 : vector<2048x1xf32>
    %exp3A = math.exp %sub3A_31 : vector<2048x1xf32>
    %mul3A = arith.mulf %get3A_19, %exp3A : vector<2048x1xf32>
    %reduce_sum3A = vector.shape_cast %mul3A : vector<2048x1xf32> to vector<1x2048x1xf32>
    %reduce_sum3A_32 = arith.constant dense<0.000000e+00> : vector<1xf32>
    %reduce_sum3A_33 = vector.multi_reduction <add>, %reduce_sum3A, %reduce_sum3A_32 [1, 2] : vector<1x2048x1xf32> to vector<1xf32>
    %reduce_sum3A_34 = vector.shape_cast %reduce_sum3A_33 : vector<1xf32> to vector<1x1x1xf32>
    %reduce_sum3A_35 = vector.extract %reduce_sum3A_34[0, 0, 0] : f32 from vector<1x1x1xf32>
    %mul3A_36 = arith.mulf %get3A_19, %get3A_19 : vector<2048x1xf32>
    %sub3A_37 = vector.broadcast %reduce_max3A_29 : f32 to vector<2048x1xf32>
    %sub3A_38 = arith.subf %slice3A_20, %sub3A_37 : vector<2048x1xf32>
    %exp3A_39 = math.exp %sub3A_38 : vector<2048x1xf32>
    %mul3A_40 = arith.mulf %mul3A_36, %exp3A_39 : vector<2048x1xf32>
    %reduce_sum3A_41 = vector.shape_cast %mul3A_40 : vector<2048x1xf32> to vector<1x2048x1xf32>
    %reduce_sum3A_42 = arith.constant dense<0.000000e+00> : vector<1xf32>
    %reduce_sum3A_43 = vector.multi_reduction <add>, %reduce_sum3A_41, %reduce_sum3A_42 [1, 2] : vector<1x2048x1xf32> to vector<1xf32>
    %reduce_sum3A_44 = vector.shape_cast %reduce_sum3A_43 : vector<1xf32> to vector<1x1x1xf32>
    %reduce_sum3A_45 = vector.extract %reduce_sum3A_44[0, 0, 0] : f32 from vector<1x1x1xf32>
    %log3A = math.log %reduce_sum3A_35 : f32
    %add3A_46 = arith.addf %reduce_max3A_24, %log3A : f32
    %broadcast_in_dim3A = vector.broadcast %add3A_46 : f32 to vector<8x128xf32>
    %swap3A = arith.constant 0 : index
    %swap3A_47 = arith.constant 0 : index
    %swap3A_48 = arith.constant 0 : index
    %swap3A_49 = vector.load %arg13[%swap3A, %swap3A_47, %swap3A_48] : memref<1x8x128xf32, #tpu.memory_space<vmem>>, vector<1x8x128xf32>
    %swap3A_50 = vector.shape_cast %swap3A_49 : vector<1x8x128xf32> to vector<8x128xf32>
    %swap3A_51 = vector.shape_cast %broadcast_in_dim3A : vector<8x128xf32> to vector<1x8x128xf32>
    tpu.vector_store %arg13[%swap3A, %swap3A_47, %swap3A_48], %swap3A_51 {strides = array<i32>} : memref<1x8x128xf32, #tpu.memory_space<vmem>>, vector<1x8x128xf32>,
    %log3A_52 = math.log %reduce_sum3A_45 : f32
    %add3A_53 = arith.addf %reduce_max3A_29, %log3A_52 : f32
    %broadcast_in_dim3A_54 = vector.broadcast %add3A_53 : f32 to vector<8x128xf32>
    %swap3A_55 = arith.constant 0 : index
    %swap3A_56 = arith.constant 0 : index
    %swap3A_57 = arith.constant 0 : index
    %swap3A_58 = vector.load %arg14[%swap3A_55, %swap3A_56, %swap3A_57] : memref<1x8x128xf32, #tpu.memory_space<vmem>>, vector<1x8x128xf32>
    %swap3A_59 = vector.shape_cast %swap3A_58 : vector<1x8x128xf32> to vector<8x128xf32>
    %swap3A_60 = vector.shape_cast %broadcast_in_dim3A_54 : vector<8x128xf32> to vector<1x8x128xf32>
    tpu.vector_store %arg14[%swap3A_55, %swap3A_56, %swap3A_57], %swap3A_60 {strides = array<i32>} : memref<1x8x128xf32, #tpu.memory_space<vmem>>, vector<1x8x128xf32>,
    %min3A = arith.constant 15 : i32
    %min3A_61 = arith.minsi %arg0, %min3A : i32
    %get3A_62 = arith.index_cast %min3A_61 : i32 to index
    %get3A_63 = arith.constant 0 : index
    %get3A_64 = vector.load %arg15[%get3A_62, %get3A_63] : memref<16x512xf32, #tpu.memory_space<vmem>>, vector<1x512xf32>
    %get3A_65 = arith.constant 0 : index
    %get3A_66 = arith.constant 0 : index
    %get3A_67 = arith.constant 0 : index
    %get3A_68 = vector.load %arg2[%get3A_65, %get3A_66, %get3A_67] : memref<1x2048x256xf32, #tpu.memory_space<vmem>>, vector<1x2048x256xf32>
    %get3A_69 = vector.shape_cast %get3A_68 : vector<1x2048x256xf32> to vector<2048x256xf32>
    %convert_element_type3A_70 = arith.truncf %get3A_69 : vector<2048x256xf32> to vector<2048x256xbf16>
    %get3A_71 = arith.constant 0 : index
    %get3A_72 = arith.constant 0 : index
    %get3A_73 = vector.load %arg9[%get3A_71, %get3A_72] : memref<256x512xbf16, #tpu.memory_space<vmem>>, vector<256x512xbf16>
    %dot_general3A = arith.constant dense<0.000000e+00> : vector<2048x512xf32>
    %dot_general3A_74 = tpu.matmul %convert_element_type3A_70, %get3A_73, %dot_general3A {dimension_numbers = #tpu.dot_dimension_numbers<[1], [0], [0], [1], [0, 0, 1, 1], [], []>, transpose_lhs_hint = false} : vector<2048x256xbf16>, vector<256x512xbf16>, vector<2048x512xf32> -> vector<2048x512xf32>
    %add3A_75 = vector.broadcast %get3A_64 : vector<1x512xf32> to vector<2048x512xf32>
    %add3A_76 = arith.addf %dot_general3A_74, %add3A_75 : vector<2048x512xf32>
    %max3A = arith.constant 0.000000e+00 : f32
    %max3A_77 = vector.broadcast %max3A : f32 to vector<2048x512xf32>
    %max3A_78 = arith.maximumf %add3A_76, %max3A_77 : vector<2048x512xf32>
    %convert_element_type3A_79 = arith.truncf %max3A_78 : vector<2048x512xf32> to vector<2048x512xbf16>
    %get3A_80 = arith.constant 0 : index
    %get3A_81 = arith.constant 0 : index
    %get3A_82 = vector.load %arg12[%get3A_80, %get3A_81] : memref<512x128xbf16, #tpu.memory_space<vmem>>, vector<512x128xbf16>
    %dot_general3A_83 = arith.constant dense<0.000000e+00> : vector<2048x128xf32>
    %dot_general3A_84 = tpu.matmul %convert_element_type3A_79, %get3A_82, %dot_general3A_83 {dimension_numbers = #tpu.dot_dimension_numbers<[1], [0], [0], [1], [0, 0, 1, 1], [], []>, transpose_lhs_hint = false} : vector<2048x512xbf16>, vector<512x128xbf16>, vector<2048x128xf32> -> vector<2048x128xf32>
    %broadcast_in_dim3A_85 = vector.shape_cast %dot_general3A_84 : vector<2048x128xf32> to vector<1x2048x128xf32>
    %jit3A_86 = arith.constant 2 : i32
    %eq3A_87 = arith.constant 0 : i32
    %eq3A_88 = arith.cmpi eq, %jit3A_86, %eq3A_87 : i32
    %jit3A_89 = arith.constant 1 : i32
    %select_n3A_90 = arith.select %eq3A_88, %jit3A_89, %jit3A_86 : i32
    %rem3A_91 = arith.remsi %arg0, %select_n3A_90 : i32
    %ne3A_92 = arith.constant 0 : i32
    %ne3A_93 = arith.cmpi ne, %rem3A_91, %ne3A_92 : i32
    %lt3A_94 = arith.constant 0 : i32
    %lt3A_95 = arith.cmpi slt, %rem3A_91, %lt3A_94 : i32
    %lt3A_96 = arith.constant 0 : i32
    %lt3A_97 = arith.cmpi slt, %select_n3A_90, %lt3A_96 : i32
    %ne3A_98 = arith.xori %lt3A_95, %lt3A_97 : i1
    %and3A_99 = arith.andi %ne3A_98, %ne3A_93 : i1
    %add3A_100 = arith.addi %rem3A_91, %select_n3A_90 : i32
    %select_n3A_101 = arith.select %and3A_99, %add3A_100, %rem3A_91 : i32
    %swap3A_102 = arith.index_cast %select_n3A_101 : i32 to index
    %swap3A_103 = arith.constant 0 : index
    %swap3A_104 = arith.constant 0 : index
    %swap3A_105 = vector.load %arg16[%swap3A_102, %swap3A_103, %swap3A_104] : memref<2x2048x128xf32, #tpu.memory_space<vmem>>, vector<1x2048x128xf32>
    tpu.vector_store %arg16[%swap3A_102, %swap3A_103, %swap3A_104], %broadcast_in_dim3A_85 {strides = array<i32>} : memref<2x2048x128xf32, #tpu.memory_space<vmem>>, vector<1x2048x128xf32>,
    %add3A_106 = arith.constant 1 : i32
    %add3A_107 = arith.addi %arg0, %add3A_106 : i32
    %min3A_108 = arith.constant 15 : i32
    %min3A_109 = arith.minsi %add3A_107, %min3A_108 : i32
    %get3A_110 = arith.constant 0 : index
    %get3A_111 = arith.index_cast %min3A_109 : i32 to index
    %get3A_112 = arith.constant 0 : index
    %get3A_113 = vector.load %arg1[%get3A_110, %get3A_111, %get3A_112] : memref<2x16x384xf32, #tpu.memory_space<vmem>>, vector<1x1x384xf32>
    %get3A_114 = vector.shape_cast %get3A_113 : vector<1x1x384xf32> to vector<1x384xf32>
    %get3A_115 = arith.constant 1 : index
    %get3A_116 = arith.index_cast %min3A_109 : i32 to index
    %get3A_117 = arith.constant 0 : index
    %get3A_118 = vector.load %arg1[%get3A_115, %get3A_116, %get3A_117] : memref<2x16x384xf32, #tpu.memory_space<vmem>>, vector<1x1x384xf32>
    %get3A_119 = vector.shape_cast %get3A_118 : vector<1x1x384xf32> to vector<1x384xf32>
    %add3A_120 = arith.addf %get3A_114, %get3A_119 : vector<1x384xf32>
    %mul3A_121 = arith.constant 4.8828125E-4 : f32
    %mul3A_122 = vector.broadcast %mul3A_121 : f32 to vector<1x384xf32>
    %mul3A_123 = arith.mulf %add3A_120, %mul3A_122 : vector<1x384xf32>
    %get3A_124 = arith.constant 0 : index
    %get3A_125 = arith.constant 0 : index
    %get3A_126 = vector.load %arg4[%get3A_124, %get3A_125] : memref<384x128xf32, #tpu.memory_space<vmem>>, vector<384x128xf32>
    %dot_general3A_127 = arith.constant dense<0.000000e+00> : vector<1x128xf32>
    %dot_general3A_128 = tpu.matmul %mul3A_123, %get3A_126, %dot_general3A_127 {dimension_numbers = #tpu.dot_dimension_numbers<[1], [0], [0], [1], [0, 0, 1, 1], [], []>, transpose_lhs_hint = false} : vector<1x384xf32>, vector<384x128xf32>, vector<1x128xf32> -> vector<1x128xf32>
    %get3A_129 = arith.constant 0 : index
    %get3A_130 = arith.constant 0 : index
    %get3A_131 = vector.load %arg5[%get3A_129, %get3A_130] : memref<128x256xf32, #tpu.memory_space<vmem>>, vector<128x256xf32>
    %dot_general3A_132 = arith.constant dense<0.000000e+00> : vector<1x256xf32>
    %dot_general3A_133 = tpu.matmul %dot_general3A_128, %get3A_131, %dot_general3A_132 {dimension_numbers = #tpu.dot_dimension_numbers<[1], [0], [0], [1], [0, 0, 1, 1], [], []>, transpose_lhs_hint = false} : vector<1x128xf32>, vector<128x256xf32>, vector<1x256xf32> -> vector<1x256xf32>
    %get3A_134 = arith.constant 0 : index
    %get3A_135 = arith.constant 0 : index
    %get3A_136 = vector.load %arg6[%get3A_134, %get3A_135] : memref<1x256xf32, #tpu.memory_space<vmem>>, vector<1x256xf32>
    %add3A_137 = arith.addf %dot_general3A_133, %get3A_136 : vector<1x256xf32>
    %gt3A = arith.constant 0.000000e+00 : f32
    %gt3A_138 = vector.broadcast %gt3A : f32 to vector<1x256xf32>
    %gt3A_139 = arith.cmpf ogt, %add3A_137, %gt3A_138 : vector<1x256xf32>
    %exp3A_140 = math.exp %add3A_137 : vector<1x256xf32>
    %sub3A_141 = arith.constant 1.000000e+00 : f32
    %sub3A_142 = vector.broadcast %sub3A_141 : f32 to vector<1x256xf32>
    %sub3A_143 = arith.subf %exp3A_140, %sub3A_142 : vector<1x256xf32>
    %mul3A_144 = arith.constant 1.67326319 : f32
    %mul3A_145 = vector.broadcast %mul3A_144 : f32 to vector<1x256xf32>
    %mul3A_146 = arith.mulf %mul3A_145, %sub3A_143 : vector<1x256xf32>
    %select_n3A_147 = arith.select %gt3A_139, %add3A_137, %mul3A_146 : vector<1x256xi1>, vector<1x256xf32>
    %mul3A_148 = arith.constant 1.05070102 : f32
    %mul3A_149 = vector.broadcast %mul3A_148 : f32 to vector<1x256xf32>
    %mul3A_150 = arith.mulf %mul3A_149, %select_n3A_147 : vector<1x256xf32>
    %get3A_151 = arith.constant 0 : index
    %get3A_152 = arith.constant 0 : index
    %get3A_153 = vector.load %arg7[%get3A_151, %get3A_152] : memref<256x128xf32, #tpu.memory_space<vmem>>, vector<256x128xf32>
    %dot_general3A_154 = arith.constant dense<0.000000e+00> : vector<1x128xf32>
    %dot_general3A_155 = tpu.matmul %mul3A_150, %get3A_153, %dot_general3A_154 {dimension_numbers = #tpu.dot_dimension_numbers<[1], [0], [0], [1], [0, 0, 1, 1], [], []>, transpose_lhs_hint = false} : vector<1x256xf32>, vector<256x128xf32>, vector<1x128xf32> -> vector<1x128xf32>
    %get3A_156 = arith.constant 0 : index
    %get3A_157 = arith.constant 0 : index
    %get3A_158 = vector.load %arg8[%get3A_156, %get3A_157] : memref<1x128xf32, #tpu.memory_space<vmem>>, vector<1x128xf32>
    %add3A_159 = arith.addf %dot_general3A_155, %get3A_158 : vector<1x128xf32>
    %get3A_160 = arith.constant 0 : index
    %get3A_161 = arith.constant 0 : index
    %get3A_162 = vector.load %arg10[%get3A_160, %get3A_161] : memref<128x512xf32, #tpu.memory_space<vmem>>, vector<128x512xf32>
    %dot_general3A_163 = arith.constant dense<0.000000e+00> : vector<1x512xf32>
    %dot_general3A_164 = tpu.matmul %add3A_159, %get3A_162, %dot_general3A_163 {dimension_numbers = #tpu.dot_dimension_numbers<[1], [0], [0], [1], [0, 0, 1, 1], [], []>, transpose_lhs_hint = false} : vector<1x128xf32>, vector<128x512xf32>, vector<1x512xf32> -> vector<1x512xf32>
    %get3A_165 = arith.constant 0 : index
    %get3A_166 = arith.constant 0 : index
    %get3A_167 = vector.load %arg11[%get3A_165, %get3A_166] : memref<1x512xf32, #tpu.memory_space<vmem>>, vector<1x512xf32>
    %add3A_168 = arith.addf %dot_general3A_164, %get3A_167 : vector<1x512xf32>
    %add3A_169 = arith.constant 1 : i32
    %add3A_170 = arith.addi %arg0, %add3A_169 : i32
    %min3A_171 = arith.constant 15 : i32
    %min3A_172 = arith.minsi %add3A_170, %min3A_171 : i32
    %swap3A_173 = arith.index_cast %min3A_172 : i32 to index
    %swap3A_174 = arith.constant 0 : index
    %swap3A_175 = vector.load %arg15[%swap3A_173, %swap3A_174] : memref<16x512xf32, #tpu.memory_space<vmem>>, vector<1x512xf32>
    tpu.vector_store %arg15[%swap3A_173, %swap3A_174], %add3A_168 {strides = array<i32>} : memref<16x512xf32, #tpu.memory_space<vmem>>, vector<1x512xf32>,
    return
  }
  func.func @transform_0(%arg0: i32) -> (i32, i32, i32) {
    %c0_i32 = arith.constant 0 : i32
    %c0_i32_0 = arith.constant 0 : i32
    %c0_i32_1 = arith.constant 0 : i32
    %c0_i32_2 = arith.constant 0 : i32
    return %c0_i32, %c0_i32_0, %c0_i32_1 : i32, i32, i32
  }
  func.func @transform_1(%arg0: i32) -> (i32, i32, i32) {
    %min3A = arith.constant 15 : i32
    %min3A_0 = arith.minsi %arg0, %min3A : i32
    %c0_i32 = arith.constant 0 : i32
    %c0_i32_1 = arith.constant 0 : i32
    %c0_i32_2 = arith.constant 0 : i32
    return %min3A_0, %c0_i32, %c0_i32_1 : i32, i32, i32
  }
  func.func @transform_2(%arg0: i32) -> (i32, i32, i32) {
    %sub3A = arith.constant 1 : i32
    %sub3A_0 = arith.subi %arg0, %sub3A : i32
    %max3A = arith.constant 0 : i32
    %max3A_1 = arith.maxsi %sub3A_0, %max3A : i32
    %c0_i32 = arith.constant 0 : i32
    %c0_i32_2 = arith.constant 0 : i32
    %c0_i32_3 = arith.constant 0 : i32
    return %max3A_1, %c0_i32, %c0_i32_2 : i32, i32, i32
  }
  func.func @transform_3(%arg0: i32) -> (i32, i32) {
    %c0_i32 = arith.constant 0 : i32
    %c0_i32_0 = arith.constant 0 : i32
    %c0_i32_1 = arith.constant 0 : i32
    return %c0_i32, %c0_i32_0 : i32, i32
  }
  func.func @transform_4(%arg0: i32) -> (i32, i32) {
    %c0_i32 = arith.constant 0 : i32
    %c0_i32_0 = arith.constant 0 : i32
    %c0_i32_1 = arith.constant 0 : i32
    return %c0_i32, %c0_i32_0 : i32, i32
  }
  func.func @transform_5(%arg0: i32) -> (i32, i32) {
    %c0_i32 = arith.constant 0 : i32
    %c0_i32_0 = arith.constant 0 : i32
    %c0_i32_1 = arith.constant 0 : i32
    return %c0_i32, %c0_i32_0 : i32, i32
  }
  func.func @transform_6(%arg0: i32) -> (i32, i32) {
    %c0_i32 = arith.constant 0 : i32
    %c0_i32_0 = arith.constant 0 : i32
    %c0_i32_1 = arith.constant 0 : i32
    return %c0_i32, %c0_i32_0 : i32, i32
  }
  func.func @transform_7(%arg0: i32) -> (i32, i32) {
    %c0_i32 = arith.constant 0 : i32
    %c0_i32_0 = arith.constant 0 : i32
    %c0_i32_1 = arith.constant 0 : i32
    return %c0_i32, %c0_i32_0 : i32, i32
  }
  func.func @transform_8(%arg0: i32) -> (i32, i32) {
    %c0_i32 = arith.constant 0 : i32
    %c0_i32_0 = arith.constant 0 : i32
    %c0_i32_1 = arith.constant 0 : i32
    return %c0_i32, %c0_i32_0 : i32, i32
  }
  func.func @transform_9(%arg0: i32) -> (i32, i32) {
    %c0_i32 = arith.constant 0 : i32
    %c0_i32_0 = arith.constant 0 : i32
    %c0_i32_1 = arith.constant 0 : i32
    return %c0_i32, %c0_i32_0 : i32, i32
  }
  func.func @transform_10(%arg0: i32) -> (i32, i32) {
    %c0_i32 = arith.constant 0 : i32
    %c0_i32_0 = arith.constant 0 : i32
    %c0_i32_1 = arith.constant 0 : i32
    return %c0_i32, %c0_i32_0 : i32, i32
  }
  func.func @transform_11(%arg0: i32) -> (i32, i32) {
    %c0_i32 = arith.constant 0 : i32
    %c0_i32_0 = arith.constant 0 : i32
    %c0_i32_1 = arith.constant 0 : i32
    return %c0_i32, %c0_i32_0 : i32, i32
  }
  func.func @transform_12(%arg0: i32) -> (i32, i32, i32) {
    %sub3A = arith.constant 1 : i32
    %sub3A_0 = arith.subi %arg0, %sub3A : i32
    %max3A = arith.constant 0 : i32
    %max3A_1 = arith.maxsi %sub3A_0, %max3A : i32
    %c0_i32 = arith.constant 0 : i32
    %c0_i32_2 = arith.constant 0 : i32
    %c0_i32_3 = arith.constant 0 : i32
    return %max3A_1, %c0_i32, %c0_i32_2 : i32, i32, i32
  }
  func.func @transform_13(%arg0: i32) -> (i32, i32, i32) {
    %sub3A = arith.constant 1 : i32
    %sub3A_0 = arith.subi %arg0, %sub3A : i32
    %max3A = arith.constant 0 : i32
    %max3A_1 = arith.maxsi %sub3A_0, %max3A : i32
    %c0_i32 = arith.constant 0 : i32
    %c0_i32_2 = arith.constant 0 : i32
    %c0_i32_3 = arith.constant 0 : i32
    return %max3A_1, %c0_i32, %c0_i32_2 : i32, i32, i32
  }
}

</mosaic_0001>

<sc_bundles>
// kernel: kernel.4.cloned.1.call-start
scs
__scs_entry_jumppad:
0x0: {  	(pc) =	sbr.rel $0x88, $3  }
0x1: {  	(tag) =	ssettag $0x0;
	lr =	simm.s32 $0x1  }
0x2: {  	[smem:$0x3F91] =	sst lr;
	_ =	strace $0xD0000000  }
0x3: {  	_ = 	snop  }
0x4: {  	_ = 	snop  }
0x5: {  	_ = 	snop  }
0x6: {  	_ = 	snop  }
0x7: {  	_ = 	snop  }
__scs_overlays_trampoline_lowered:
0x8: {  	[smem:$0x3FA0] =	sst s0  }
0x9: {  	[smem:$0x3FA1] =	sst s1  }
0xa: {  	[smem:$0x3FA2] =	sst s2  }
0xb: {  	[smem:$0x3FA3] =	sst s3  }
0xc: {  	[smem:$0x3FA4] =	sst s4  }
0xd: {  	[smem:$0x3FA5] =	sst s5  }
0xe: {  	[smem:$0x3FA6] =	sst s6  }
0xf: {  	[smem:$0x3FA7] =	sst s7  }
0x10: {  	[smem:$0x3FA8] =	sst s8  }
0x11: {  	[smem:$0x3FA9] =	sst s9;
	s0 =	simm.s32 @!p0 $0x0  }
0x12: {  	s1 =	sld [smem:$0x3F8F];
	s0 =	simm.s32 @p0 $0x1  }
0x13: {  	[smem:$0x3FAA] =	sst s0;
	s0 =	simm.s32 @!p1 $0x0  }
0x14: {  	s2 =	sld [smem:$0x3F8E];
	s0 =	simm.s32 @p1 $0x1  }
0x15: {  	[smem:$0x3FAB] =	sst s0;
	s0 =	simm.s32 @!p2 $0x0  }
0x16: {  	s3 =	sld [smem:$0x3FDB];
	s0 =	simm.s32 @p2 $0x1  }
0x17: {  	s4 =	simm.s32 $0x1BF5;
	[smem:$0x3FAD] =	sst s0  }
0x18: {  	s0 =	sld [smem:$0x3F90];
	_ =	swait.ge [sflag:s4], $0x0  }
0x19: {  	s7 =	sld [smem:$0x3F91]  }
0x1a: {  	s8 =	sadd.s32 $0xFFFFE003, lr  }
0x1b: {  	s9 =	sadd.s32 $0xFFFFFEF7, lr;
	s5 =	simm.s32 $0xFFFFFFFF;
	p2 =	slt.u32 s8, $0xFFFFF086  }
0x1c: {  	p1 =	slt.u32 s9, $0xF7A;
	s5 =	simm.s32 @!p2 $0x0  }
0x1d: {  	s5 =	simm.s32 @p1 $0x1;
	p0 =	seq.s32 s7, s2  }
0x1e: {  	s7 =	smul.u32 @!p0 $0xF7A, s2;
	p2 =	seq.s32 @!p0 s5, $0x0  }
0x1f: {  	s9 =	smul.u32 $0xF7A, s1;
	s8 =	simm.s32 @!p0 $0x1BF5;
	p2 =	por !p2, p0  }
0x20: {  	[sflag:s8] =	ssyncset.s32 @!p0 $0xFFFFF086;
	s6 =	sadd.s32 @!p0 s3, s7;
	s7 =	simm.s32 @!p0 $0x108  }
0x21: {  	s3 =	sadd.s32 s3, s9;
	s6 =	sadd.s32 @!p0 $0x88, s6;
	s7 =	simm.s32 @p2 $0x1082  }
0x22: {  	[simem:s7], [sflag:s8] =	dma.local @!p0 [hbm:s6], $0xF7A  }
0x23: {  	s9 =	sor.u32 $0xD0000000, s2;
	s6 =	simm.s32 $0x108;
	_ =	swait.ge @!p0 [sflag:s8], $0x0  }
0x24: {  	s3 =	sadd.s32 $0x88, s3;
	s6 =	simm.s32 @!p1 $0x1082;
	[sflag:s4] =	ssyncset.s32 $0xFFFFF086  }
0x25: {  	[simem:s6], [sflag:s4] =	dma.local [hbm:s3], $0xF7A  }
0x26: {  	[smem:$0x3F91] =	sst s1;
	(tag) =	ssettag s2;
	_ =	strace s9  }
0x27: {  	s1 =	sld [smem:$0x3FA1]  }
0x28: {  	s2 =	sld [smem:$0x3FA2]  }
0x29: {  	s4 =	sld [smem:$0x3FA4]  }
0x2a: {  	p0 =	seq.s32 s5, $0x0;
	s5 =	sld [smem:$0x3FA5]  }
0x2b: {  	s6 =	sld [smem:$0x3FA6]  }
0x2c: {  	s7 =	sld [smem:$0x3FA7]  }
0x2d: {  	s3 =	simm.s32 $0x108;
	s8 =	sld [smem:$0x3FA8]  }
0x2e: {  	s3 =	simm.s32 @!p0 $0x1082;
	s9 =	sld [smem:$0x3FA9]  }
0x2f: {  	lr =	sadd.s32 s0, s3;
	s0 =	sld [smem:$0x3FA0]  }
0x30: {  	s3 =	sld [smem:$0x3FA3]  }
0x31: {  	[smem:$0x3FAC] =	sst s10  }
0x32: {  	s10 =	sld [smem:$0x3FAA];
	_ =	sdelay $0x3  }
0x33: {  	p0 =	seq.s32 s10, $0x1;
	s10 =	sld [smem:$0x3FAC];
	_ =	sdelay $0x3  }
0x34: {  	[smem:$0x3FAC] =	sst s10  }
0x35: {  	s10 =	sld [smem:$0x3FAB];
	_ =	sdelay $0x3  }
0x36: {  	p1 =	seq.s32 s10, $0x1;
	s10 =	sld [smem:$0x3FAC];
	_ =	sdelay $0x3  }
0x37: {  	[smem:$0x3FAC] =	sst s10  }
0x38: {  	s10 =	sld [smem:$0x3FAD]  }
0x39: {  	_ = 	snop;
	(pc) =	sbr.ind lr, $3  }
0x3a: {  	_ = 	snop  }
0x3b: {  	_ = 	snop  }
0x3c: {  	p2 =	seq.s32 s10, $0x1;
	s10 =	sld [smem:$0x3FAC]  }
0x3d: {  	_ =	shalt  }
0x3e: {  	_ =	shalt  }
0x3f: {  	_ =	shalt  }
0x40: {  	_ =	shalt  }
0x41: {  	_ =	shalt  }
0x42: {  	_ =	shalt  }
0x43: {  	_ =	shalt  }
0x44: {  	_ =	shalt  }
0x45: {  	_ =	shalt  }
0x46: {  	_ =	shalt  }
0x47: {  	_ =	shalt  }
0x48: {  	_ =	shalt  }
0x49: {  	_ =	shalt  }
0x4a: {  	_ =	shalt  }
0x4b: {  	_ =	shalt  }
0x4c: {  	_ =	shalt  }
0x4d: {  	_ =	shalt  }
0x4e: {  	_ =	shalt  }
0x4f: {  	_ =	shalt  }
0x50: {  	_ =	shalt  }
0x51: {  	_ =	shalt  }
0x52: {  	_ =	shalt  }
0x53: {  	_ =	shalt  }
0x54: {  	_ =	shalt  }
0x55: {  	_ =	shalt  }
0x56: {  	_ =	shalt  }
0x57: {  	_ =	shalt  }
0x58: {  	_ =	shalt  }
0x59: {  	_ =	shalt  }
0x5a: {  	_ =	shalt  }
0x5b: {  	_ =	shalt  }
0x5c: {  	_ =	shalt  }
0x5d: {  	_ =	shalt  }
0x5e: {  	_ =	shalt  }
0x5f: {  	_ =	shalt  }
0x60: {  	_ =	shalt  }
0x61: {  	_ =	shalt  }
0x62: {  	_ =	shalt  }
0x63: {  	_ =	shalt  }
0x64: {  	_ =	shalt  }
0x65: {  	_ =	shalt  }
0x66: {  	_ =	shalt  }
0x67: {  	_ =	shalt  }
0x68: {  	_ =	shalt  }
0x69: {  	_ =	shalt  }
0x6a: {  	_ =	shalt  }
0x6b: {  	_ =	shalt  }
0x6c: {  	_ =	shalt  }
0x6d: {  	_ =	shalt  }
0x6e: {  	_ =	shalt  }
0x6f: {  	_ =	shalt  }
0x70: {  	_ =	shalt  }
0x71: {  	_ =	shalt  }
0x72: {  	_ =	shalt  }
0x73: {  	_ =	shalt  }
0x74: {  	_ =	shalt  }
0x75: {  	_ =	shalt  }
0x76: {  	_ =	shalt  }
0x77: {  	_ =	shalt  }
0x78: {  	_ =	shalt  }
0x79: {  	_ =	shalt  }
0x7a: {  	_ =	shalt  }
0x7b: {  	_ =	shalt  }
0x7c: {  	_ =	shalt  }
0x7d: {  	_ =	shalt  }
0x7e: {  	_ =	shalt  }
0x7f: {  	_ =	shalt  }
0x80: {  	_ =	shalt  }
0x81: {  	_ =	shalt  }
0x82: {  	_ =	shalt  }
0x83: {  	_ =	shalt  }
0x84: {  	_ =	shalt  }
0x85: {  	_ =	shalt  }
0x86: {  	_ =	shalt  }
0x87: {  	_ =	shalt  }
.Lfunc_end0:
.L_simem_size_0:
called_computation_lowered:
.L_overlay_start_0:
0x88: {  	s2 =	sld [smem:$0x3FD9]  }
0x89: {  	s3 =	sld [smem:$0x3FFE];
	_ =	sdelay $0x1  }
0x8a: {  	s1 =	srdreg.scid  }
0x8b: {  	s0 =	sand.u32 $0x1, s1  }
0x8c: {  	s16 =	sshll.u32 s0, $0xA;
	s2 =	sadd.s32 s3, s2  }
0x8d: {  	s2 =	sadd.s32 s2, s16  }
0x8e: {  	[smem:$0x3FB8] =	sst s2  }
0x8f: {  	_ = 	snop  }
0x90: {  	(tm) =	ssettm $0x1  }
0x91: {  	s17 =	sld [smem:$0x3FFB];
	_ =	sdelay $0x3  }
0x92: {  	_ =	strace s17  }
0x93: {  	s2 =	sld [smem:$0x3FFC];
	_ =	sdelay $0x3  }
0x94: {  	_ =	strace s2  }
0x95: {  	s2 =	sld [smem:$0x3FFD];
	_ =	sdelay $0x3  }
0x96: {  	_ =	strace s2  }
0x97: {  	_ =	strace $0x8FFFFFFF  }
0x98: {  	s18 =	sld [smem:$0x3FDB];
	_ =	sdelay $0x1  }
0x99: {  	s19 =	simm.s32 $_scs_section_size  }
0x9a: {  	s4 =	simm.s32 $_size__tile_overlayer_lowered;
	s5 =	simm.s32 $_tile_overlayer_lowered  }
0x9b: {  	s22 =	simm.s32 $0x1BFF;
	s21 =	sshll.u32 s5, $0x1;
	s2 =	sadd.s32 s19, s18  }
0x9c: {  	s6 =	simm.s32 $0x0;
	s20 =	sshll.u32 s4, $0x1;
	s4 =	sadd.s32 s21, s2  }
0x9d: {  	[timem:s6], [sflag:s22] =	dma.local [hbm:s4], s20  }
0x9e: {  	_ =	swait.ge [sflag:s22], s20  }
0x9f: {  	s3 =	ssub.s32 $0x0, s20;
	[sflag:s22] =	ssyncset.done $0x0  }
0xa0: {  	[sflag:s22] =	ssyncadd.s32 s3;
	_ =	sdelay $0x1  }
0xa1: {  	s23 =	simm.s32 $0x1B8B  }
0xa2: {  	_ =	swait.ge [sflag:s23], $0x1  }
0xa3: {  	[sflag:s23] =	ssyncset.done $0x0  }
0xa4: {  	s25 =	simm.s32 $0x1B8E;
	s24 =	sld [smem:$0x3FFE];
	[sflag:s23] =	ssyncadd.s32 $0xFFFFFFFF  }
0xa5: {  	s26 =	simm.s32 $execute0_lowered;
	[smem:$0x3FD2] =	sst s25  }
0xa6: {  	s4 =	sshll.u32 s26, $0x1;
	_ =	strace $0x80000046;
	[dreg:$0x1] =	wrdreg $0xFFFFFFFF  }
0xa7: {  	s28 =	simm.s32 $_size_execute0_lowered;
	s2 =	sadd.s32 s2, s4;
	[dreg:$0x0] =	wrdreg $0x0  }
0xa8: {  	s4 =	sshll.u32 s28, $0x1;
	[dreg:$0x2] =	wrdreg s2  }
0xa9: {  	[dreg:$0x3] =	wrdreg s4  }
0xaa: {  	[dreg:$0x4] =	wrdreg $0xC0  }
0xab: {  	_ =	task [dreg:s6], $0x5FFFF  }
0xac: {  	[dreg:$0x1] =	wrdreg $0xFFFFFFFF  }
0xad: {  	[dreg:$0x0] =	wrdreg $0x60  }
0xae: {  	[dreg:$0x2] =	wrdreg s24  }
0xaf: {  	[dreg:$0x3] =	wrdreg $0x4800  }
0xb0: {  	[dreg:$0x4] =	wrdreg $0x9  }
0xb1: {  	_ =	task.clear_ibuf [dreg:s6], $0x5FFFF;
	_ =	strace $0x90000046  }
0xb2: {  	s29 =	simm.s32 $0x9;
	_ =	strace $0x80000048  }
0xb3: {  	_ =	swait.ge [sflag:s29], $0x1  }
0xb4: {  	[sflag:s29] =	ssyncadd.s32 $0xFFFFFFFF  }
0xb5: {  	_ =	strace $0x90000048  }
0xb6: {  	_ =	sfence  }
0xb7: {  	s30 =	sld [smem:$0x0];
	_ =	sdelay $0x2  }
0xb8: {  	s31 =	sshll.u32 s1, $0xD;
	s1 =	sshrl.u32 s1, $0x2  }
0xb9: {  	s3 =	sand.u32 $0x4000, s31;
	s1 =	sadd.s32 s1, s30  }
0xba: {  	s0 =	sor.u32 s3, s0;
	s1 =	sshll.u32 s1, $0x11  }
0xbb: {  	s0 =	sor.u32 s1, s0  }
0xbc: {  	s0 =	sadd.s32 $0x8F2B, s0  }
0xbd: {  	[sflag:s0] =	ssyncadd.remote.s32 $0x1  }
0xbe: {  	_ =	sfence.sel $0xFFFF  }
0xbf: {  	[dreg:$0x0] =	wrdreg $0xFFFFFFFF;
	(pc) =	sbr.abs _section_cstart, $3  }
0xc0: {  	[dreg:$0x1] =	wrdreg $0xFFFFFFFF  }
0xc1: {  	_ =	task.clear_ibuf [dreg:s6], $0x2FFFF;
	_ =	strace $0x9FFFFFFF  }
0xc2: {  	(tm) =	ssettm $0x7FFFFFFF  }
0xc3: {  	_ =	shalt  }
tec
execute0_lowered:
.L_overlay_start_1:
0x0: {  	(tag) =	ssettag $0x1  }
0x1: {  	s16 =	rddreg [dreg:$0x0];
	s0 =	srdreg.scid  }
0x2: {  	s1 =	rddreg [dreg:$0x1];
	s17 =	sand.u32 $0x1, s0  }
0x3: {  	s5 =	stileid.u32;
	s2 =	simm.s32 $0x0;
	s3 =	sshll.u32 s17, $0x7  }
0x4: {  	s0 =	rddreg [dreg:$0x2];
	s4 =	sshll.u32 s5, $0x8;
	s3 =	sadd.s32 s3, s16  }
0x5: {  	[smem:$0x7FF] =	sst s2;
	s3 =	sadd.s32 s4, s3  }
0x6: {  	_ =	strace $0x80000047;
	s4 =	sadd.s32 $0xC00, s3;
	s3 =	simm.s32 $0x1  }
0x7: {  	[tilespmem:s2], [sflag:$0x1] =	stream.linear.gather [hbm4b:s4+s2], $0x400, $0x38;
	[tilespmem:$0x600] =	vst v63  }
0x8: {  	_ =	swait.ge [sflag:s3], $0x400  }
0x9: {  	[sflag:s3] =	ssyncset.done $0x0  }
0xa: {  	v0 =	vimm.f32 $1.000000000e+00;
	[sflag:s3] =	ssyncadd.s32 $0xFFFFFC00  }
0xb: {  	[tilespmem:$0x470] =	vst v0  }
0xc: {  	[tilespmem:$0x460] =	vst v0  }
0xd: {  	[tilespmem:$0x450] =	vst v0  }
0xe: {  	[tilespmem:$0x440] =	vst v0  }
0xf: {  	[tilespmem:$0x430] =	vst v0  }
0x10: {  	[tilespmem:$0x420] =	vst v0  }
0x11: {  	s8 =	sadd.s32 $0x1C00, s16;
	p0 =	sne.s32 s5, $0x0;
	[tilespmem:$0x400] =	vst v0  }
0x12: {  	s5 =	sshrl.u32 @!p0 s1, $0x3;
	s7 =	simm.s32 @!p0 $0x1C01;
	s6 =	simm.s32 @!p0 $0x1;
	[tilespmem:$0x410] =	vst v0  }
0x13: {  	[spmem:s5], [sflag:s7] =	dma.local @!p0 [hbm:s8], $0x300  }
0x14: {  	_ =	swait.ge @!p0 [sflag:s6], $0x300  }
0x15: {  	[sflag:s6] =	ssyncset.done @!p0 $0x0  }
0x16: {  	[sflag:s6] =	ssyncadd.s32 @!p0 $0xFFFFFD00  }
0x17: {  	s9 =	simm.s32 $0x80;
	s10 =	simm.s32 $0x400;
	[bflag:$0x0] =	sbarrier.arrive $0xFFFF  }
0x18: {  	[spmem:s1] =	stream.indirect.scatter.add.f32 [tilespmem:s10], [sflag:$0x1], $0x1, s2, s9, $0xb8;
	[tilespmem:$0x600] =	vst v63  }
0x19: {  	_ =	swait.ge [sflag:s3], $0x80  }
0x1a: {  	[sflag:s3] =	ssyncset.done $0x0  }
0x1b: {  	[sflag:s3] =	ssyncadd.s32 $0xFFFFFF80  }
0x1c: {  	[spmem:s1] =	stream.indirect.scatter.add.f32 [tilespmem:s10], [sflag:$0x1], $0x1, s9, s9, $0xb8;
	[tilespmem:$0x600] =	vst v63  }
0x1d: {  	_ =	swait.ge [sflag:s3], $0x80  }
0x1e: {  	[sflag:s3] =	ssyncset.done $0x0  }
0x1f: {  	s11 =	simm.s32 $0x100;
	[sflag:s3] =	ssyncadd.s32 $0xFFFFFF80  }
0x20: {  	[spmem:s1] =	stream.indirect.scatter.add.f32 [tilespmem:s10], [sflag:$0x1], $0x1, s11, s9, $0xb8;
	[tilespmem:$0x600] =	vst v63  }
0x21: {  	_ =	swait.ge [sflag:s3], $0x80  }
0x22: {  	[sflag:s3] =	ssyncset.done $0x0  }
0x23: {  	s12 =	simm.s32 $0x180;
	[sflag:s3] =	ssyncadd.s32 $0xFFFFFF80  }
0x24: {  	[spmem:s1] =	stream.indirect.scatter.add.f32 [tilespmem:s10], [sflag:$0x1], $0x1, s12, s9, $0xb8;
	[tilespmem:$0x600] =	vst v63  }
0x25: {  	_ =	swait.ge [sflag:s3], $0x80  }
0x26: {  	[sflag:s3] =	ssyncset.done $0x0  }
0x27: {  	s13 =	simm.s32 $0x200;
	[sflag:s3] =	ssyncadd.s32 $0xFFFFFF80  }
0x28: {  	[spmem:s1] =	stream.indirect.scatter.add.f32 [tilespmem:s10], [sflag:$0x1], $0x1, s13, s9, $0xb8;
	[tilespmem:$0x600] =	vst v63  }
0x29: {  	s18 =	ssub.s32 $0x2, s17;
	_ =	swait.ge [sflag:s3], $0x80  }
0x2a: {  	s19 =	sshrl.u32 s18, $0x1;
	[sflag:s3] =	ssyncset.done $0x0  }
0x2b: {  	s14 =	simm.s32 $0x280;
	s18 =	ssub.s32 s18, s19;
	[sflag:s3] =	ssyncadd.s32 $0xFFFFFF80  }
0x2c: {  	[spmem:s1] =	stream.indirect.scatter.add.f32 [tilespmem:s10], [sflag:$0x1], $0x1, s14, s9, $0xb8;
	[tilespmem:$0x600] =	vst v63  }
0x2d: {  	s18 =	smax.u32 s18, $0x1;
	_ =	swait.ge [sflag:s3], $0x80  }
0x2e: {  	s18 =	sadd.s32 $0xFFFFFFFF, s18;
	[sflag:s3] =	ssyncset.done $0x0  }
0x2f: {  	s15 =	simm.s32 $0x300;
	p1 =	sne.s32 s18, $0x0;
	[sflag:s3] =	ssyncadd.s32 $0xFFFFFF80  }
0x30: {  	[spmem:s1] =	stream.indirect.scatter.add.f32 [tilespmem:s10], [sflag:$0x1], $0x1, s15, s9, $0xb8;
	[tilespmem:$0x600] =	vst v63  }
.Ltmp0:
0x31: {  	_ = 	snop;
	(pc) =	sbr.rel @!p1 .LBB2_2-.Ltmp0, $4  }
0x32: {  	s31 =	sshll.u32 s17, $0x4;
	_ =	swait.ge [sflag:s3], $0x80  }
0x33: {  	s16 =	sadd.s32 s31, s16;
	[sflag:s3] =	ssyncset.done $0x0  }
0x34: {  	s17 =	simm.s32 $0x380;
	s16 =	sadd.s32 $0x2000, s16;
	[sflag:s3] =	ssyncadd.s32 $0xFFFFFF80  }
0x35: {  	[spmem:s1] =	stream.indirect.scatter.add.f32 [tilespmem:s10], [sflag:$0x1], $0x1, s17, s9, $0xb8;
	[tilespmem:$0x600] =	vst v63  }
.LBB2_1:
0x36: {  	s18 =	sadd.s32 $0xFFFFFFFF, s18;
	_ =	swait.ge [sflag:s3], $0x80  }
0x37: {  	p1 =	sne.s32 s18, $0x0;
	[sflag:s3] =	ssyncset.done $0x0  }
0x38: {  	s19 =	simm.s32 @!p0 $0x20;
	s20 =	simm.s32 @!p0 $0x10;
	[sflag:s3] =	ssyncadd.s32 $0xFFFFFF80  }
0x39: {  	[bflag:$0x0] =	sbarrier.arrive $0xFFFF  }
0x3a: {  	[hbm:s16@s19], [sflag:s7] =	dma.strided @!p0 [spmem:s5@s20], $0x300, s6, $0x10   }
0x3b: {  	_ =	swait.ge @!p0 [sflag:s6], $0x300  }
0x3c: {  	[sflag:s6] =	ssyncset.done @!p0 $0x0  }
0x3d: {  	[sflag:s6] =	ssyncadd.s32 @!p0 $0xFFFFFD00  }
0x3e: {  	[tilespmem:s2], [sflag:$0x1] =	stream.linear.gather [hbm4b:s4+s2], $0x400, $0x38;
	[tilespmem:$0x600] =	vst v63  }
0x3f: {  	_ =	swait.ge [sflag:s3], $0x400  }
0x40: {  	[sflag:s3] =	ssyncset.done $0x0  }
0x41: {  	[sflag:s3] =	ssyncadd.s32 $0xFFFFFC00  }
0x42: {  	[tilespmem:$0x470] =	vst v0  }
0x43: {  	[tilespmem:$0x460] =	vst v0  }
0x44: {  	[tilespmem:$0x450] =	vst v0  }
0x45: {  	[tilespmem:$0x440] =	vst v0  }
0x46: {  	[tilespmem:$0x430] =	vst v0  }
0x47: {  	[tilespmem:$0x420] =	vst v0  }
0x48: {  	[tilespmem:$0x400] =	vst v0  }
0x49: {  	[tilespmem:$0x410] =	vst v0  }
0x4a: {  	[spmem:s5], [sflag:s7] =	dma.local @!p0 [hbm:s8], $0x300  }
0x4b: {  	_ =	swait.ge @!p0 [sflag:s6], $0x300  }
0x4c: {  	[sflag:s6] =	ssyncset.done @!p0 $0x0  }
0x4d: {  	[sflag:s6] =	ssyncadd.s32 @!p0 $0xFFFFFD00  }
0x4e: {  	[bflag:$0x0] =	sbarrier.arrive $0xFFFF  }
0x4f: {  	[spmem:s1] =	stream.indirect.scatter.add.f32 [tilespmem:s10], [sflag:$0x1], $0x1, s2, s9, $0xb8;
	[tilespmem:$0x600] =	vst v63  }
0x50: {  	_ =	swait.ge [sflag:s3], $0x80  }
0x51: {  	[sflag:s3] =	ssyncset.done $0x0  }
0x52: {  	[sflag:s3] =	ssyncadd.s32 $0xFFFFFF80  }
0x53: {  	[spmem:s1] =	stream.indirect.scatter.add.f32 [tilespmem:s10], [sflag:$0x1], $0x1, s9, s9, $0xb8;
	[tilespmem:$0x600] =	vst v63  }
0x54: {  	_ =	swait.ge [sflag:s3], $0x80  }
0x55: {  	[sflag:s3] =	ssyncset.done $0x0  }
0x56: {  	[sflag:s3] =	ssyncadd.s32 $0xFFFFFF80  }
0x57: {  	[spmem:s1] =	stream.indirect.scatter.add.f32 [tilespmem:s10], [sflag:$0x1], $0x1, s11, s9, $0xb8;
	[tilespmem:$0x600] =	vst v63  }
0x58: {  	_ =	swait.ge [sflag:s3], $0x80  }
0x59: {  	[sflag:s3] =	ssyncset.done $0x0  }
0x5a: {  	[sflag:s3] =	ssyncadd.s32 $0xFFFFFF80  }
0x5b: {  	[spmem:s1] =	stream.indirect.scatter.add.f32 [tilespmem:s10], [sflag:$0x1], $0x1, s12, s9, $0xb8;
	[tilespmem:$0x600] =	vst v63  }
0x5c: {  	_ =	swait.ge [sflag:s3], $0x80  }
0x5d: {  	[sflag:s3] =	ssyncset.done $0x0  }
0x5e: {  	[sflag:s3] =	ssyncadd.s32 $0xFFFFFF80  }
0x5f: {  	[spmem:s1] =	stream.indirect.scatter.add.f32 [tilespmem:s10], [sflag:$0x1], $0x1, s13, s9, $0xb8;
	[tilespmem:$0x600] =	vst v63  }
0x60: {  	_ =	swait.ge [sflag:s3], $0x80  }
0x61: {  	[sflag:s3] =	ssyncset.done $0x0  }
0x62: {  	[sflag:s3] =	ssyncadd.s32 $0xFFFFFF80  }
0x63: {  	[spmem:s1] =	stream.indirect.scatter.add.f32 [tilespmem:s10], [sflag:$0x1], $0x1, s14, s9, $0xb8;
	[tilespmem:$0x600] =	vst v63  }
0x64: {  	_ =	swait.ge [sflag:s3], $0x80  }
0x65: {  	[sflag:s3] =	ssyncset.done $0x0  }
0x66: {  	[sflag:s3] =	ssyncadd.s32 $0xFFFFFF80  }
0x67: {  	[spmem:s1] =	stream.indirect.scatter.add.f32 [tilespmem:s10], [sflag:$0x1], $0x1, s15, s9, $0xb8;
	[tilespmem:$0x600] =	vst v63  }
.Ltmp1:
0x68: {  	_ = 	snop;
	(pc) =	sbr.rel @p1 .LBB2_1-.Ltmp1, $4  }
0x69: {  	_ =	swait.ge [sflag:s3], $0x80  }
0x6a: {  	[sflag:s3] =	ssyncset.done $0x0  }
0x6b: {  	[sflag:s3] =	ssyncadd.s32 $0xFFFFFF80  }
0x6c: {  	[spmem:s1] =	stream.indirect.scatter.add.f32 [tilespmem:s10], [sflag:$0x1], $0x1, s17, s9, $0xb8;
	[tilespmem:$0x600] =	vst v63  }
.LBB2_2:
0x6d: {  	_ =	swait.ge [sflag:s3], $0x80  }
0x6e: {  	[sflag:s3] =	ssyncset.done $0x0  }
0x6f: {  	[sflag:s3] =	ssyncadd.s32 $0xFFFFFF80  }
0x70: {  	s1 =	simm.s32 @!p0 $0x20;
	s2 =	simm.s32 @!p0 $0x10;
	[bflag:$0x0] =	sbarrier.arrive $0xFFFF  }
0x71: {  	[hbm:s16@s1], [sflag:s7] =	dma.strided @!p0 [spmem:s5@s2], $0x300, s6, $0x10   }
0x72: {  	_ =	swait.ge @!p0 [sflag:s6], $0x300  }
0x73: {  	[sflag:s6] =	ssyncset.done @!p0 $0x0  }
0x74: {  	[sflag:s6] =	ssyncadd.s32 @!p0 $0xFFFFFD00  }
0x75: {  	_ =	sfence.sel $0x180000  }
0x76: {  	[bflag:$0x0] =	sbarrier.arrive $0xFFFF  }
0x77: {  	_ =	strace $0x90000047  }
0x78: {  	s0 =	sadd.s32 @!p0 $0x100000, s0;
	[bflag:$0x2] =	sbarrier.arrive $0xFFFF  }
0x79: {  	[sflag:s0] =	ssyncadd.tile.s32 @!p0 $0x1;
	_ =	shalt  }
.Lfunc_end2:
_tile_overlayer_lowered:
.L_overlay_start_2:
0x7a: {  	(tag) =	ssettag $0x2  }
0x7b: {  	s0 =	rddreg [dreg:$0x0];
	s2 =	stileid.u32  }
0x7c: {  	s1 =	rddreg [dreg:$0x1];
	p0 =	sne.s32 s2, $0x0  }
0x7d: {  	s3 =	rddreg [dreg:$0x2];
	[bflag:$0x3] =	sbarrier.arrive $0xFFFF;
	s2 =	simm.s32 @!p0 $0x1C01  }
0x7e: {  	[timem:s3], [sflag:s2] =	dma.local @!p0 [hbm:s0], s1  }
0x7f: {  	s0 =	simm.s32 @!p0 $0x1  }
0x80: {  	_ =	swait.ge @!p0 [sflag:s0], s1  }
0x81: {  	s1 =	ssub.s32 @!p0 $0x0, s1;
	[sflag:s0] =	ssyncset.done @!p0 $0x0  }
0x82: {  	[sflag:s0] =	ssyncadd.s32 @!p0 s1  }
0x83: {  	[bflag:$0x3] =	sbarrier.arrive $0xFFFF  }
0x84: {  	_ =	shalt  }

</sc_bundles>
